<compile_context>
chip_gen: v7x
topology: tpu7x:2x2x1
jax: 0.10.2.dev20260603
libtpu: 0.0.44.dev20260713+nightly
codegen_flags: <defaults>
</compile_context>

<pallas_src>
import jax
import jax.numpy as jnp
from jax import lax

from jax.experimental import pallas as pl
from jax.experimental.pallas import tpu as pltpu
from jax.experimental.pallas import tpu_sc as plsc

N_FIELDS = 13
VOCAB = 100000
DIM = 16
BATCH = 16384

NC, NS = 2, 16
NW = NC * NS
BPW = BATCH // NW
NT = 2 * N_FIELDS
NBUF = 8
PRE = 6


def _body(xt_hbm, ut_hbm, it_hbm, out_hbm, xv, *scr):
    wid = lax.axis_index("s") * NC + lax.axis_index("c")
    base = wid * BPW
    rows = list(scr[:NBUF])
    sg = list(scr[NBUF:2 * NBUF])
    sw = list(scr[2 * NBUF:3 * NBUF])

    pltpu.sync_copy(xt_hbm.at[:, pl.ds(base, BPW)], xv)

    gs = [None] * NBUF
    ws = [None] * NBUF

    def issue_gather(t):
        b = t % NBUF
        if ws[b] is not None:
            ws[b].wait()
        tab = ut_hbm if t < N_FIELDS else it_hbm
        f = t if t < N_FIELDS else t - N_FIELDS
        gs[b] = pltpu.async_copy(tab.at[f].at[xv.at[t]], rows[b], sg[b])

    for t in range(PRE):
        issue_gather(t)
    for t in range(NT):
        b = t % NBUF
        if t + PRE < NT:
            issue_gather(t + PRE)
        gs[b].wait()
        ws[b] = pltpu.async_copy(
            rows[b], out_hbm.at[pl.ds(base, BPW), pl.ds(t * DIM, DIM)], sw[b])
    for b in range(NBUF):
        if ws[b] is not None:
            ws[b].wait()


@jax.jit
def kernel(x, user_tables, item_tables):
    xt = x.astype(jnp.int32).T
    mesh = plsc.VectorSubcoreMesh(
        core_axis_name="c", subcore_axis_name="s",
        num_cores=NC, num_subcores=NS)
    return pl.kernel(
        _body,
        out_type=jax.ShapeDtypeStruct((BATCH, NT * DIM), jnp.float32),
        mesh=mesh,
        compiler_params=pltpu.CompilerParams(use_tc_tiling_on_sc=False),
        scratch_types=(
            [pltpu.VMEM((NT, BPW), jnp.int32)]
            + [pltpu.VMEM((BPW, DIM), jnp.float32)] * NBUF
            + [pltpu.SemaphoreType.DMA] * NBUF
            + [pltpu.SemaphoreType.DMA] * NBUF
        ),
    )(xt, user_tables, item_tables)

# --- scband reference (transcript-rebuilt; emitter-appended) ---
"""Pipeline reference for scband-base-tower-85899345920088 (READ-ONLY COPY).

The authoritative reference and input builder live on the scoring server;
editing this copy changes nothing except your own understanding.
"""

import jax, jax.numpy as jnp
import numpy as np

N_USER_FIELDS = 13
N_ITEM_FIELDS = 13
VOCAB = 100000
EMBED_DIM = 16
BATCH = 16384


def setup_inputs(seed: int = 0) -> dict:
    key = jax.random.key(seed)
    k_idx, k_user, k_item = jax.random.split(key, 3)
    x = jax.random.randint(k_idx, (BATCH, N_USER_FIELDS + N_ITEM_FIELDS), 0, VOCAB, dtype=jnp.int64 if jax.config.jax_enable_x64 else jnp.int32)
    # stacked embedding tables: one per sparse field
    user_tables = jax.random.normal(k_user, (N_USER_FIELDS, VOCAB, EMBED_DIM), dtype=jnp.float32) * 0.02
    item_tables = jax.random.normal(k_item, (N_ITEM_FIELDS, VOCAB, EMBED_DIM), dtype=jnp.float32) * 0.02
    # item tables have padding_idx=0 -> row 0 is zeros at init (torch nn.Embedding padding_idx init)
    item_tables = item_tables.at[:, 0, :].set(0.0)
    return {"x": x, "user_tables": user_tables, "item_tables": item_tables}


def reference(x, user_tables, item_tables):
    # split combined sparse-id matrix into user / item field columns
    user_idx = x[:, :N_USER_FIELDS]            # [B, 13]
    item_idx = x[:, N_USER_FIELDS:]            # [B, 13]
    field_u = jnp.arange(N_USER_FIELDS)[None, :]   # [1, 13]
    field_i = jnp.arange(N_ITEM_FIELDS)[None, :]
    # per-field embedding gather: [B, 13, 16]
    user_emb = user_tables[field_u, user_idx]
    item_emb = item_tables[field_i, item_idx]
    user_vec = user_emb.reshape(user_emb.shape[0], -1)   # [B, 208]
    item_vec = item_emb.reshape(item_emb.shape[0], -1)   # [B, 208]
    out = jnp.concatenate([user_vec, item_vec], axis=-1)  # [B, 416]
    return out

if __name__ == "__main__":
    import jax
    _d = setup_inputs()
    print(jax.jit(kernel)(*tuple(_d.values())))

</pallas_src>

<mosaic_0001>
#map = affine_map<(d0, d1) -> (0, 0)>
#map1 = affine_map<(d0, d1) -> (0, 0, 0)>
module attributes {stable_mosaic.version = 14 : i64} {
  func.func @_body(%arg0: i32, %arg1: i32, %arg2: memref<26x16384xi32, #tpu.memory_space<hbm>>, %arg3: memref<13x100000x16xf32, #tpu.memory_space<hbm>>, %arg4: memref<13x100000x16xf32, #tpu.memory_space<hbm>>, %arg5: memref<16384x416xf32, #tpu.memory_space<hbm>>, %arg6: memref<26x512xi32, #tpu.memory_space<vmem>>, %arg7: memref<512x16xf32, #tpu.memory_space<vmem>>, %arg8: memref<512x16xf32, #tpu.memory_space<vmem>>, %arg9: memref<512x16xf32, #tpu.memory_space<vmem>>, %arg10: memref<512x16xf32, #tpu.memory_space<vmem>>, %arg11: memref<512x16xf32, #tpu.memory_space<vmem>>, %arg12: memref<512x16xf32, #tpu.memory_space<vmem>>, %arg13: memref<512x16xf32, #tpu.memory_space<vmem>>, %arg14: memref<512x16xf32, #tpu.memory_space<vmem>>, %arg15: memref<!tpu.dma_semaphore, #tpu.memory_space<semaphore_mem>>, %arg16: memref<!tpu.dma_semaphore, #tpu.memory_space<semaphore_mem>>, %arg17: memref<!tpu.dma_semaphore, #tpu.memory_space<semaphore_mem>>, %arg18: memref<!tpu.dma_semaphore, #tpu.memory_space<semaphore_mem>>, %arg19: memref<!tpu.dma_semaphore, #tpu.memory_space<semaphore_mem>>, %arg20: memref<!tpu.dma_semaphore, #tpu.memory_space<semaphore_mem>>, %arg21: memref<!tpu.dma_semaphore, #tpu.memory_space<semaphore_mem>>, %arg22: memref<!tpu.dma_semaphore, #tpu.memory_space<semaphore_mem>>, %arg23: memref<!tpu.dma_semaphore, #tpu.memory_space<semaphore_mem>>, %arg24: memref<!tpu.dma_semaphore, #tpu.memory_space<semaphore_mem>>, %arg25: memref<!tpu.dma_semaphore, #tpu.memory_space<semaphore_mem>>, %arg26: memref<!tpu.dma_semaphore, #tpu.memory_space<semaphore_mem>>, %arg27: memref<!tpu.dma_semaphore, #tpu.memory_space<semaphore_mem>>, %arg28: memref<!tpu.dma_semaphore, #tpu.memory_space<semaphore_mem>>, %arg29: memref<!tpu.dma_semaphore, #tpu.memory_space<semaphore_mem>>, %arg30: memref<!tpu.dma_semaphore, #tpu.memory_space<semaphore_mem>>) attributes {dimension_semantics = [#tpu.dimension_semantics<core_parallel>, #tpu.dimension_semantics<subcore_parallel>], iteration_bounds = array<i64: 2, 16>, scalar_prefetch = 0 : i64, scratch_operands = 25 : i64, tpu.core_type = #tpu.core_type<sc_vector_subcore>, window_params = [{transform_indices = #map}, {transform_indices = #map1}, {transform_indices = #map1}, {transform_indices = #map}]} {
    %mul3A = arith.constant 2 : i32
    %mul3A_0 = arith.muli %arg1, %mul3A : i32
    %add3A = arith.addi %mul3A_0, %arg0 : i32
    %mul3A_1 = arith.constant 512 : i32
    %mul3A_2 = arith.muli %add3A, %mul3A_1 : i32
    "tpu.region"() ({
      %run_scoped3A = tpu.sem_alloc : memref<!tpu.dma_semaphore, #tpu.memory_space<semaphore_mem>>
      %dma_start3A_833 = arith.constant 0 : i32
      %dma_start3A_834 = tpu.memref_slice %arg2[%dma_start3A_833, %mul3A_2] : memref<26x16384xi32, #tpu.memory_space<hbm>> -> memref<26x512xi32, #tpu.memory_space<hbm>>
      %dma_start3A_835 = arith.constant 0 : i32
      %dma_start3A_836 = tpu.memref_slice %arg2[%dma_start3A_835, %mul3A_2] : memref<26x16384xi32, #tpu.memory_space<hbm>> -> memref<26x512xi32, #tpu.memory_space<hbm>>
      tpu.enqueue_dma source(%dma_start3A_836 : memref<26x512xi32, #tpu.memory_space<hbm>>) target(%arg6 : memref<26x512xi32, #tpu.memory_space<vmem>>) target_semaphore(%run_scoped3A : memref<!tpu.dma_semaphore, #tpu.memory_space<semaphore_mem>>)
      %dma_wait3A_837 = arith.constant 0 : i32
      %dma_wait3A_838 = tpu.memref_slice %arg2[%dma_wait3A_837, %mul3A_2] : memref<26x16384xi32, #tpu.memory_space<hbm>> -> memref<26x512xi32, #tpu.memory_space<hbm>>
      %dma_wait3A_839 = arith.constant 0 : i32
      %dma_wait3A_840 = tpu.memref_slice %arg2[%dma_wait3A_839, %mul3A_2] : memref<26x16384xi32, #tpu.memory_space<hbm>> -> memref<26x512xi32, #tpu.memory_space<hbm>>
      tpu.wait_dma2 semaphore(%run_scoped3A : memref<!tpu.dma_semaphore, #tpu.memory_space<semaphore_mem>>) src(%dma_wait3A_840 : memref<26x512xi32, #tpu.memory_space<hbm>>) dst(%arg6 : memref<26x512xi32, #tpu.memory_space<vmem>>)
      tpu.yield
    }) : () -> ()
    %dma_start3A = arith.constant 0 : i32
    %dma_start3A_3 = arith.constant 0 : i32
    %dma_start3A_4 = arith.constant 0 : i32
    %dma_start3A_5 = tpu.memref_slice %arg6[%dma_start3A_3, %dma_start3A_4] : memref<26x512xi32, #tpu.memory_space<vmem>> -> memref<1x512xi32, #tpu.memory_space<vmem>>
    %dma_start3A_6 = tpu.memref_squeeze %dma_start3A_5 : memref<1x512xi32, #tpu.memory_space<vmem>> -> memref<512xi32, #tpu.memory_space<vmem>>
    %dma_start3A_7 = arith.constant 0 : i32
    %dma_start3A_8 = arith.constant 0 : i32
    %dma_start3A_9 = tpu.memref_slice %arg3[%dma_start3A, %dma_start3A_7, %dma_start3A_8] : memref<13x100000x16xf32, #tpu.memory_space<hbm>> -> memref<1x100000x16xf32, #tpu.memory_space<hbm>>
    %dma_start3A_10 = tpu.memref_squeeze %dma_start3A_9 : memref<1x100000x16xf32, #tpu.memory_space<hbm>> -> memref<100000x16xf32, #tpu.memory_space<hbm>>
    %dma_start3A_11 = arith.constant 0 : i32
    %dma_start3A_12 = arith.constant 0 : i32
    %dma_start3A_13 = tpu.memref_slice %dma_start3A_10[%dma_start3A_11, %dma_start3A_12] : memref<100000x16xf32, #tpu.memory_space<hbm>> -> memref<100000x16xf32, #tpu.memory_space<hbm>>
    tpu.enqueue_indirect_dma source(%dma_start3A_13 : memref<100000x16xf32, #tpu.memory_space<hbm>>) target(%arg7 : memref<512x16xf32, #tpu.memory_space<vmem>>) offsets(%dma_start3A_6 : memref<512xi32, #tpu.memory_space<vmem>>) semaphore(%arg15 : memref<!tpu.dma_semaphore, #tpu.memory_space<semaphore_mem>>)
    %dma_start3A_14 = arith.constant 1 : i32
    %dma_start3A_15 = arith.constant 1 : i32
    %dma_start3A_16 = arith.constant 0 : i32
    %dma_start3A_17 = tpu.memref_slice %arg6[%dma_start3A_15, %dma_start3A_16] : memref<26x512xi32, #tpu.memory_space<vmem>> -> memref<1x512xi32, #tpu.memory_space<vmem>>
    %dma_start3A_18 = tpu.memref_squeeze %dma_start3A_17 : memref<1x512xi32, #tpu.memory_space<vmem>> -> memref<512xi32, #tpu.memory_space<vmem>>
    %dma_start3A_19 = arith.constant 0 : i32
    %dma_start3A_20 = arith.constant 0 : i32
    %dma_start3A_21 = tpu.memref_slice %arg3[%dma_start3A_14, %dma_start3A_19, %dma_start3A_20] : memref<13x100000x16xf32, #tpu.memory_space<hbm>> -> memref<1x100000x16xf32, #tpu.memory_space<hbm>>
    %dma_start3A_22 = tpu.memref_squeeze %dma_start3A_21 : memref<1x100000x16xf32, #tpu.memory_space<hbm>> -> memref<100000x16xf32, #tpu.memory_space<hbm>>
    %dma_start3A_23 = arith.constant 0 : i32
    %dma_start3A_24 = arith.constant 0 : i32
    %dma_start3A_25 = tpu.memref_slice %dma_start3A_22[%dma_start3A_23, %dma_start3A_24] : memref<100000x16xf32, #tpu.memory_space<hbm>> -> memref<100000x16xf32, #tpu.memory_space<hbm>>
    tpu.enqueue_indirect_dma source(%dma_start3A_25 : memref<100000x16xf32, #tpu.memory_space<hbm>>) target(%arg8 : memref<512x16xf32, #tpu.memory_space<vmem>>) offsets(%dma_start3A_18 : memref<512xi32, #tpu.memory_space<vmem>>) semaphore(%arg16 : memref<!tpu.dma_semaphore, #tpu.memory_space<semaphore_mem>>)
    %dma_start3A_26 = arith.constant 2 : i32
    %dma_start3A_27 = arith.constant 2 : i32
    %dma_start3A_28 = arith.constant 0 : i32
    %dma_start3A_29 = tpu.memref_slice %arg6[%dma_start3A_27, %dma_start3A_28] : memref<26x512xi32, #tpu.memory_space<vmem>> -> memref<1x512xi32, #tpu.memory_space<vmem>>
    %dma_start3A_30 = tpu.memref_squeeze %dma_start3A_29 : memref<1x512xi32, #tpu.memory_space<vmem>> -> memref<512xi32, #tpu.memory_space<vmem>>
    %dma_start3A_31 = arith.constant 0 : i32
    %dma_start3A_32 = arith.constant 0 : i32
    %dma_start3A_33 = tpu.memref_slice %arg3[%dma_start3A_26, %dma_start3A_31, %dma_start3A_32] : memref<13x100000x16xf32, #tpu.memory_space<hbm>> -> memref<1x100000x16xf32, #tpu.memory_space<hbm>>
    %dma_start3A_34 = tpu.memref_squeeze %dma_start3A_33 : memref<1x100000x16xf32, #tpu.memory_space<hbm>> -> memref<100000x16xf32, #tpu.memory_space<hbm>>
    %dma_start3A_35 = arith.constant 0 : i32
    %dma_start3A_36 = arith.constant 0 : i32
    %dma_start3A_37 = tpu.memref_slice %dma_start3A_34[%dma_start3A_35, %dma_start3A_36] : memref<100000x16xf32, #tpu.memory_space<hbm>> -> memref<100000x16xf32, #tpu.memory_space<hbm>>
    tpu.enqueue_indirect_dma source(%dma_start3A_37 : memref<100000x16xf32, #tpu.memory_space<hbm>>) target(%arg9 : memref<512x16xf32, #tpu.memory_space<vmem>>) offsets(%dma_start3A_30 : memref<512xi32, #tpu.memory_space<vmem>>) semaphore(%arg17 : memref<!tpu.dma_semaphore, #tpu.memory_space<semaphore_mem>>)
    %dma_start3A_38 = arith.constant 3 : i32
    %dma_start3A_39 = arith.constant 3 : i32
    %dma_start3A_40 = arith.constant 0 : i32
    %dma_start3A_41 = tpu.memref_slice %arg6[%dma_start3A_39, %dma_start3A_40] : memref<26x512xi32, #tpu.memory_space<vmem>> -> memref<1x512xi32, #tpu.memory_space<vmem>>
    %dma_start3A_42 = tpu.memref_squeeze %dma_start3A_41 : memref<1x512xi32, #tpu.memory_space<vmem>> -> memref<512xi32, #tpu.memory_space<vmem>>
    %dma_start3A_43 = arith.constant 0 : i32
    %dma_start3A_44 = arith.constant 0 : i32
    %dma_start3A_45 = tpu.memref_slice %arg3[%dma_start3A_38, %dma_start3A_43, %dma_start3A_44] : memref<13x100000x16xf32, #tpu.memory_space<hbm>> -> memref<1x100000x16xf32, #tpu.memory_space<hbm>>
    %dma_start3A_46 = tpu.memref_squeeze %dma_start3A_45 : memref<1x100000x16xf32, #tpu.memory_space<hbm>> -> memref<100000x16xf32, #tpu.memory_space<hbm>>
    %dma_start3A_47 = arith.constant 0 : i32
    %dma_start3A_48 = arith.constant 0 : i32
    %dma_start3A_49 = tpu.memref_slice %dma_start3A_46[%dma_start3A_47, %dma_start3A_48] : memref<100000x16xf32, #tpu.memory_space<hbm>> -> memref<100000x16xf32, #tpu.memory_space<hbm>>
    tpu.enqueue_indirect_dma source(%dma_start3A_49 : memref<100000x16xf32, #tpu.memory_space<hbm>>) target(%arg10 : memref<512x16xf32, #tpu.memory_space<vmem>>) offsets(%dma_start3A_42 : memref<512xi32, #tpu.memory_space<vmem>>) semaphore(%arg18 : memref<!tpu.dma_semaphore, #tpu.memory_space<semaphore_mem>>)
    %dma_start3A_50 = arith.constant 4 : i32
    %dma_start3A_51 = arith.constant 4 : i32
    %dma_start3A_52 = arith.constant 0 : i32
    %dma_start3A_53 = tpu.memref_slice %arg6[%dma_start3A_51, %dma_start3A_52] : memref<26x512xi32, #tpu.memory_space<vmem>> -> memref<1x512xi32, #tpu.memory_space<vmem>>
    %dma_start3A_54 = tpu.memref_squeeze %dma_start3A_53 : memref<1x512xi32, #tpu.memory_space<vmem>> -> memref<512xi32, #tpu.memory_space<vmem>>
    %dma_start3A_55 = arith.constant 0 : i32
    %dma_start3A_56 = arith.constant 0 : i32
    %dma_start3A_57 = tpu.memref_slice %arg3[%dma_start3A_50, %dma_start3A_55, %dma_start3A_56] : memref<13x100000x16xf32, #tpu.memory_space<hbm>> -> memref<1x100000x16xf32, #tpu.memory_space<hbm>>
    %dma_start3A_58 = tpu.memref_squeeze %dma_start3A_57 : memref<1x100000x16xf32, #tpu.memory_space<hbm>> -> memref<100000x16xf32, #tpu.memory_space<hbm>>
    %dma_start3A_59 = arith.constant 0 : i32
    %dma_start3A_60 = arith.constant 0 : i32
    %dma_start3A_61 = tpu.memref_slice %dma_start3A_58[%dma_start3A_59, %dma_start3A_60] : memref<100000x16xf32, #tpu.memory_space<hbm>> -> memref<100000x16xf32, #tpu.memory_space<hbm>>
    tpu.enqueue_indirect_dma source(%dma_start3A_61 : memref<100000x16xf32, #tpu.memory_space<hbm>>) target(%arg11 : memref<512x16xf32, #tpu.memory_space<vmem>>) offsets(%dma_start3A_54 : memref<512xi32, #tpu.memory_space<vmem>>) semaphore(%arg19 : memref<!tpu.dma_semaphore, #tpu.memory_space<semaphore_mem>>)
    %dma_start3A_62 = arith.constant 5 : i32
    %dma_start3A_63 = arith.constant 5 : i32
    %dma_start3A_64 = arith.constant 0 : i32
    %dma_start3A_65 = tpu.memref_slice %arg6[%dma_start3A_63, %dma_start3A_64] : memref<26x512xi32, #tpu.memory_space<vmem>> -> memref<1x512xi32, #tpu.memory_space<vmem>>
    %dma_start3A_66 = tpu.memref_squeeze %dma_start3A_65 : memref<1x512xi32, #tpu.memory_space<vmem>> -> memref<512xi32, #tpu.memory_space<vmem>>
    %dma_start3A_67 = arith.constant 0 : i32
    %dma_start3A_68 = arith.constant 0 : i32
    %dma_start3A_69 = tpu.memref_slice %arg3[%dma_start3A_62, %dma_start3A_67, %dma_start3A_68] : memref<13x100000x16xf32, #tpu.memory_space<hbm>> -> memref<1x100000x16xf32, #tpu.memory_space<hbm>>
    %dma_start3A_70 = tpu.memref_squeeze %dma_start3A_69 : memref<1x100000x16xf32, #tpu.memory_space<hbm>> -> memref<100000x16xf32, #tpu.memory_space<hbm>>
    %dma_start3A_71 = arith.constant 0 : i32
    %dma_start3A_72 = arith.constant 0 : i32
    %dma_start3A_73 = tpu.memref_slice %dma_start3A_70[%dma_start3A_71, %dma_start3A_72] : memref<100000x16xf32, #tpu.memory_space<hbm>> -> memref<100000x16xf32, #tpu.memory_space<hbm>>
    tpu.enqueue_indirect_dma source(%dma_start3A_73 : memref<100000x16xf32, #tpu.memory_space<hbm>>) target(%arg12 : memref<512x16xf32, #tpu.memory_space<vmem>>) offsets(%dma_start3A_66 : memref<512xi32, #tpu.memory_space<vmem>>) semaphore(%arg20 : memref<!tpu.dma_semaphore, #tpu.memory_space<semaphore_mem>>)
    %dma_start3A_74 = arith.constant 6 : i32
    %dma_start3A_75 = arith.constant 6 : i32
    %dma_start3A_76 = arith.constant 0 : i32
    %dma_start3A_77 = tpu.memref_slice %arg6[%dma_start3A_75, %dma_start3A_76] : memref<26x512xi32, #tpu.memory_space<vmem>> -> memref<1x512xi32, #tpu.memory_space<vmem>>
    %dma_start3A_78 = tpu.memref_squeeze %dma_start3A_77 : memref<1x512xi32, #tpu.memory_space<vmem>> -> memref<512xi32, #tpu.memory_space<vmem>>
    %dma_start3A_79 = arith.constant 0 : i32
    %dma_start3A_80 = arith.constant 0 : i32
    %dma_start3A_81 = tpu.memref_slice %arg3[%dma_start3A_74, %dma_start3A_79, %dma_start3A_80] : memref<13x100000x16xf32, #tpu.memory_space<hbm>> -> memref<1x100000x16xf32, #tpu.memory_space<hbm>>
    %dma_start3A_82 = tpu.memref_squeeze %dma_start3A_81 : memref<1x100000x16xf32, #tpu.memory_space<hbm>> -> memref<100000x16xf32, #tpu.memory_space<hbm>>
    %dma_start3A_83 = arith.constant 0 : i32
    %dma_start3A_84 = arith.constant 0 : i32
    %dma_start3A_85 = tpu.memref_slice %dma_start3A_82[%dma_start3A_83, %dma_start3A_84] : memref<100000x16xf32, #tpu.memory_space<hbm>> -> memref<100000x16xf32, #tpu.memory_space<hbm>>
    tpu.enqueue_indirect_dma source(%dma_start3A_85 : memref<100000x16xf32, #tpu.memory_space<hbm>>) target(%arg13 : memref<512x16xf32, #tpu.memory_space<vmem>>) offsets(%dma_start3A_78 : memref<512xi32, #tpu.memory_space<vmem>>) semaphore(%arg21 : memref<!tpu.dma_semaphore, #tpu.memory_space<semaphore_mem>>)
    %dma_wait3A = arith.constant 0 : i32
    %dma_wait3A_86 = arith.constant 0 : i32
    %dma_wait3A_87 = arith.constant 0 : i32
    %dma_wait3A_88 = tpu.memref_slice %arg6[%dma_wait3A_86, %dma_wait3A_87] : memref<26x512xi32, #tpu.memory_space<vmem>> -> memref<1x512xi32, #tpu.memory_space<vmem>>
    %dma_wait3A_89 = tpu.memref_squeeze %dma_wait3A_88 : memref<1x512xi32, #tpu.memory_space<vmem>> -> memref<512xi32, #tpu.memory_space<vmem>>
    %dma_wait3A_90 = arith.constant 0 : i32
    %dma_wait3A_91 = arith.constant 0 : i32
    %dma_wait3A_92 = tpu.memref_slice %arg3[%dma_wait3A, %dma_wait3A_90, %dma_wait3A_91] : memref<13x100000x16xf32, #tpu.memory_space<hbm>> -> memref<1x100000x16xf32, #tpu.memory_space<hbm>>
    %dma_wait3A_93 = tpu.memref_squeeze %dma_wait3A_92 : memref<1x100000x16xf32, #tpu.memory_space<hbm>> -> memref<100000x16xf32, #tpu.memory_space<hbm>>
    %dma_wait3A_94 = arith.constant 0 : i32
    %dma_wait3A_95 = arith.constant 0 : i32
    %dma_wait3A_96 = tpu.memref_slice %dma_wait3A_93[%dma_wait3A_94, %dma_wait3A_95] : memref<100000x16xf32, #tpu.memory_space<hbm>> -> memref<100000x16xf32, #tpu.memory_space<hbm>>
    tpu.wait_indirect_dma semaphore(%arg15 : memref<!tpu.dma_semaphore, #tpu.memory_space<semaphore_mem>>) src(%dma_wait3A_96 : memref<100000x16xf32, #tpu.memory_space<hbm>>) dst(%arg7 : memref<512x16xf32, #tpu.memory_space<vmem>>)
    %dma_start3A_97 = arith.constant 0 : i32
    %dma_start3A_98 = tpu.memref_slice %arg5[%mul3A_2, %dma_start3A_97] : memref<16384x416xf32, #tpu.memory_space<hbm>> -> memref<512x16xf32, #tpu.memory_space<hbm>>
    %dma_start3A_99 = arith.constant 0 : i32
    %dma_start3A_100 = tpu.memref_slice %arg5[%mul3A_2, %dma_start3A_99] : memref<16384x416xf32, #tpu.memory_space<hbm>> -> memref<512x16xf32, #tpu.memory_space<hbm>>
    tpu.enqueue_dma source(%arg7 : memref<512x16xf32, #tpu.memory_space<vmem>>) target(%dma_start3A_100 : memref<512x16xf32, #tpu.memory_space<hbm>>) target_semaphore(%arg23 : memref<!tpu.dma_semaphore, #tpu.memory_space<semaphore_mem>>)
    %dma_start3A_101 = arith.constant 7 : i32
    %dma_start3A_102 = arith.constant 7 : i32
    %dma_start3A_103 = arith.constant 0 : i32
    %dma_start3A_104 = tpu.memref_slice %arg6[%dma_start3A_102, %dma_start3A_103] : memref<26x512xi32, #tpu.memory_space<vmem>> -> memref<1x512xi32, #tpu.memory_space<vmem>>
    %dma_start3A_105 = tpu.memref_squeeze %dma_start3A_104 : memref<1x512xi32, #tpu.memory_space<vmem>> -> memref<512xi32, #tpu.memory_space<vmem>>
    %dma_start3A_106 = arith.constant 0 : i32
    %dma_start3A_107 = arith.constant 0 : i32
    %dma_start3A_108 = tpu.memref_slice %arg3[%dma_start3A_101, %dma_start3A_106, %dma_start3A_107] : memref<13x100000x16xf32, #tpu.memory_space<hbm>> -> memref<1x100000x16xf32, #tpu.memory_space<hbm>>
    %dma_start3A_109 = tpu.memref_squeeze %dma_start3A_108 : memref<1x100000x16xf32, #tpu.memory_space<hbm>> -> memref<100000x16xf32, #tpu.memory_space<hbm>>
    %dma_start3A_110 = arith.constant 0 : i32
    %dma_start3A_111 = arith.constant 0 : i32
    %dma_start3A_112 = tpu.memref_slice %dma_start3A_109[%dma_start3A_110, %dma_start3A_111] : memref<100000x16xf32, #tpu.memory_space<hbm>> -> memref<100000x16xf32, #tpu.memory_space<hbm>>
    tpu.enqueue_indirect_dma source(%dma_start3A_112 : memref<100000x16xf32, #tpu.memory_space<hbm>>) target(%arg14 : memref<512x16xf32, #tpu.memory_space<vmem>>) offsets(%dma_start3A_105 : memref<512xi32, #tpu.memory_space<vmem>>) semaphore(%arg22 : memref<!tpu.dma_semaphore, #tpu.memory_space<semaphore_mem>>)
    %dma_wait3A_113 = arith.constant 1 : i32
    %dma_wait3A_114 = arith.constant 1 : i32
    %dma_wait3A_115 = arith.constant 0 : i32
    %dma_wait3A_116 = tpu.memref_slice %arg6[%dma_wait3A_114, %dma_wait3A_115] : memref<26x512xi32, #tpu.memory_space<vmem>> -> memref<1x512xi32, #tpu.memory_space<vmem>>
    %dma_wait3A_117 = tpu.memref_squeeze %dma_wait3A_116 : memref<1x512xi32, #tpu.memory_space<vmem>> -> memref<512xi32, #tpu.memory_space<vmem>>
    %dma_wait3A_118 = arith.constant 0 : i32
    %dma_wait3A_119 = arith.constant 0 : i32
    %dma_wait3A_120 = tpu.memref_slice %arg3[%dma_wait3A_113, %dma_wait3A_118, %dma_wait3A_119] : memref<13x100000x16xf32, #tpu.memory_space<hbm>> -> memref<1x100000x16xf32, #tpu.memory_space<hbm>>
    %dma_wait3A_121 = tpu.memref_squeeze %dma_wait3A_120 : memref<1x100000x16xf32, #tpu.memory_space<hbm>> -> memref<100000x16xf32, #tpu.memory_space<hbm>>
    %dma_wait3A_122 = arith.constant 0 : i32
    %dma_wait3A_123 = arith.constant 0 : i32
    %dma_wait3A_124 = tpu.memref_slice %dma_wait3A_121[%dma_wait3A_122, %dma_wait3A_123] : memref<100000x16xf32, #tpu.memory_space<hbm>> -> memref<100000x16xf32, #tpu.memory_space<hbm>>
    tpu.wait_indirect_dma semaphore(%arg16 : memref<!tpu.dma_semaphore, #tpu.memory_space<semaphore_mem>>) src(%dma_wait3A_124 : memref<100000x16xf32, #tpu.memory_space<hbm>>) dst(%arg8 : memref<512x16xf32, #tpu.memory_space<vmem>>)
    %dma_start3A_125 = arith.constant 16 : i32
    %dma_start3A_126 = tpu.memref_slice %arg5[%mul3A_2, %dma_start3A_125] : memref<16384x416xf32, #tpu.memory_space<hbm>> -> memref<512x16xf32, #tpu.memory_space<hbm>>
    %dma_start3A_127 = arith.constant 16 : i32
    %dma_start3A_128 = tpu.memref_slice %arg5[%mul3A_2, %dma_start3A_127] : memref<16384x416xf32, #tpu.memory_space<hbm>> -> memref<512x16xf32, #tpu.memory_space<hbm>>
    tpu.enqueue_dma source(%arg8 : memref<512x16xf32, #tpu.memory_space<vmem>>) target(%dma_start3A_128 : memref<512x16xf32, #tpu.memory_space<hbm>>) target_semaphore(%arg24 : memref<!tpu.dma_semaphore, #tpu.memory_space<semaphore_mem>>)
    %dma_wait3A_129 = arith.constant 0 : i32
    %dma_wait3A_130 = tpu.memref_slice %arg5[%mul3A_2, %dma_wait3A_129] : memref<16384x416xf32, #tpu.memory_space<hbm>> -> memref<512x16xf32, #tpu.memory_space<hbm>>
    %dma_wait3A_131 = arith.constant 0 : i32
    %dma_wait3A_132 = tpu.memref_slice %arg5[%mul3A_2, %dma_wait3A_131] : memref<16384x416xf32, #tpu.memory_space<hbm>> -> memref<512x16xf32, #tpu.memory_space<hbm>>
    tpu.wait_dma2 semaphore(%arg23 : memref<!tpu.dma_semaphore, #tpu.memory_space<semaphore_mem>>) src(%arg7 : memref<512x16xf32, #tpu.memory_space<vmem>>) dst(%dma_wait3A_132 : memref<512x16xf32, #tpu.memory_space<hbm>>)
    %dma_start3A_133 = arith.constant 8 : i32
    %dma_start3A_134 = arith.constant 8 : i32
    %dma_start3A_135 = arith.constant 0 : i32
    %dma_start3A_136 = tpu.memref_slice %arg6[%dma_start3A_134, %dma_start3A_135] : memref<26x512xi32, #tpu.memory_space<vmem>> -> memref<1x512xi32, #tpu.memory_space<vmem>>
    %dma_start3A_137 = tpu.memref_squeeze %dma_start3A_136 : memref<1x512xi32, #tpu.memory_space<vmem>> -> memref<512xi32, #tpu.memory_space<vmem>>
    %dma_start3A_138 = arith.constant 0 : i32
    %dma_start3A_139 = arith.constant 0 : i32
    %dma_start3A_140 = tpu.memref_slice %arg3[%dma_start3A_133, %dma_start3A_138, %dma_start3A_139] : memref<13x100000x16xf32, #tpu.memory_space<hbm>> -> memref<1x100000x16xf32, #tpu.memory_space<hbm>>
    %dma_start3A_141 = tpu.memref_squeeze %dma_start3A_140 : memref<1x100000x16xf32, #tpu.memory_space<hbm>> -> memref<100000x16xf32, #tpu.memory_space<hbm>>
    %dma_start3A_142 = arith.constant 0 : i32
    %dma_start3A_143 = arith.constant 0 : i32
    %dma_start3A_144 = tpu.memref_slice %dma_start3A_141[%dma_start3A_142, %dma_start3A_143] : memref<100000x16xf32, #tpu.memory_space<hbm>> -> memref<100000x16xf32, #tpu.memory_space<hbm>>
    tpu.enqueue_indirect_dma source(%dma_start3A_144 : memref<100000x16xf32, #tpu.memory_space<hbm>>) target(%arg7 : memref<512x16xf32, #tpu.memory_space<vmem>>) offsets(%dma_start3A_137 : memref<512xi32, #tpu.memory_space<vmem>>) semaphore(%arg15 : memref<!tpu.dma_semaphore, #tpu.memory_space<semaphore_mem>>)
    %dma_wait3A_145 = arith.constant 2 : i32
    %dma_wait3A_146 = arith.constant 2 : i32
    %dma_wait3A_147 = arith.constant 0 : i32
    %dma_wait3A_148 = tpu.memref_slice %arg6[%dma_wait3A_146, %dma_wait3A_147] : memref<26x512xi32, #tpu.memory_space<vmem>> -> memref<1x512xi32, #tpu.memory_space<vmem>>
    %dma_wait3A_149 = tpu.memref_squeeze %dma_wait3A_148 : memref<1x512xi32, #tpu.memory_space<vmem>> -> memref<512xi32, #tpu.memory_space<vmem>>
    %dma_wait3A_150 = arith.constant 0 : i32
    %dma_wait3A_151 = arith.constant 0 : i32
    %dma_wait3A_152 = tpu.memref_slice %arg3[%dma_wait3A_145, %dma_wait3A_150, %dma_wait3A_151] : memref<13x100000x16xf32, #tpu.memory_space<hbm>> -> memref<1x100000x16xf32, #tpu.memory_space<hbm>>
    %dma_wait3A_153 = tpu.memref_squeeze %dma_wait3A_152 : memref<1x100000x16xf32, #tpu.memory_space<hbm>> -> memref<100000x16xf32, #tpu.memory_space<hbm>>
    %dma_wait3A_154 = arith.constant 0 : i32
    %dma_wait3A_155 = arith.constant 0 : i32
    %dma_wait3A_156 = tpu.memref_slice %dma_wait3A_153[%dma_wait3A_154, %dma_wait3A_155] : memref<100000x16xf32, #tpu.memory_space<hbm>> -> memref<100000x16xf32, #tpu.memory_space<hbm>>
    tpu.wait_indirect_dma semaphore(%arg17 : memref<!tpu.dma_semaphore, #tpu.memory_space<semaphore_mem>>) src(%dma_wait3A_156 : memref<100000x16xf32, #tpu.memory_space<hbm>>) dst(%arg9 : memref<512x16xf32, #tpu.memory_space<vmem>>)
    %dma_start3A_157 = arith.constant 32 : i32
    %dma_start3A_158 = tpu.memref_slice %arg5[%mul3A_2, %dma_start3A_157] : memref<16384x416xf32, #tpu.memory_space<hbm>> -> memref<512x16xf32, #tpu.memory_space<hbm>>
    %dma_start3A_159 = arith.constant 32 : i32
    %dma_start3A_160 = tpu.memref_slice %arg5[%mul3A_2, %dma_start3A_159] : memref<16384x416xf32, #tpu.memory_space<hbm>> -> memref<512x16xf32, #tpu.memory_space<hbm>>
    tpu.enqueue_dma source(%arg9 : memref<512x16xf32, #tpu.memory_space<vmem>>) target(%dma_start3A_160 : memref<512x16xf32, #tpu.memory_space<hbm>>) target_semaphore(%arg25 : memref<!tpu.dma_semaphore, #tpu.memory_space<semaphore_mem>>)
    %dma_wait3A_161 = arith.constant 16 : i32
    %dma_wait3A_162 = tpu.memref_slice %arg5[%mul3A_2, %dma_wait3A_161] : memref<16384x416xf32, #tpu.memory_space<hbm>> -> memref<512x16xf32, #tpu.memory_space<hbm>>
    %dma_wait3A_163 = arith.constant 16 : i32
    %dma_wait3A_164 = tpu.memref_slice %arg5[%mul3A_2, %dma_wait3A_163] : memref<16384x416xf32, #tpu.memory_space<hbm>> -> memref<512x16xf32, #tpu.memory_space<hbm>>
    tpu.wait_dma2 semaphore(%arg24 : memref<!tpu.dma_semaphore, #tpu.memory_space<semaphore_mem>>) src(%arg8 : memref<512x16xf32, #tpu.memory_space<vmem>>) dst(%dma_wait3A_164 : memref<512x16xf32, #tpu.memory_space<hbm>>)
    %dma_start3A_165 = arith.constant 9 : i32
    %dma_start3A_166 = arith.constant 9 : i32
    %dma_start3A_167 = arith.constant 0 : i32
    %dma_start3A_168 = tpu.memref_slice %arg6[%dma_start3A_166, %dma_start3A_167] : memref<26x512xi32, #tpu.memory_space<vmem>> -> memref<1x512xi32, #tpu.memory_space<vmem>>
    %dma_start3A_169 = tpu.memref_squeeze %dma_start3A_168 : memref<1x512xi32, #tpu.memory_space<vmem>> -> memref<512xi32, #tpu.memory_space<vmem>>
    %dma_start3A_170 = arith.constant 0 : i32
    %dma_start3A_171 = arith.constant 0 : i32
    %dma_start3A_172 = tpu.memref_slice %arg3[%dma_start3A_165, %dma_start3A_170, %dma_start3A_171] : memref<13x100000x16xf32, #tpu.memory_space<hbm>> -> memref<1x100000x16xf32, #tpu.memory_space<hbm>>
    %dma_start3A_173 = tpu.memref_squeeze %dma_start3A_172 : memref<1x100000x16xf32, #tpu.memory_space<hbm>> -> memref<100000x16xf32, #tpu.memory_space<hbm>>
    %dma_start3A_174 = arith.constant 0 : i32
    %dma_start3A_175 = arith.constant 0 : i32
    %dma_start3A_176 = tpu.memref_slice %dma_start3A_173[%dma_start3A_174, %dma_start3A_175] : memref<100000x16xf32, #tpu.memory_space<hbm>> -> memref<100000x16xf32, #tpu.memory_space<hbm>>
    tpu.enqueue_indirect_dma source(%dma_start3A_176 : memref<100000x16xf32, #tpu.memory_space<hbm>>) target(%arg8 : memref<512x16xf32, #tpu.memory_space<vmem>>) offsets(%dma_start3A_169 : memref<512xi32, #tpu.memory_space<vmem>>) semaphore(%arg16 : memref<!tpu.dma_semaphore, #tpu.memory_space<semaphore_mem>>)
    %dma_wait3A_177 = arith.constant 3 : i32
    %dma_wait3A_178 = arith.constant 3 : i32
    %dma_wait3A_179 = arith.constant 0 : i32
    %dma_wait3A_180 = tpu.memref_slice %arg6[%dma_wait3A_178, %dma_wait3A_179] : memref<26x512xi32, #tpu.memory_space<vmem>> -> memref<1x512xi32, #tpu.memory_space<vmem>>
    %dma_wait3A_181 = tpu.memref_squeeze %dma_wait3A_180 : memref<1x512xi32, #tpu.memory_space<vmem>> -> memref<512xi32, #tpu.memory_space<vmem>>
    %dma_wait3A_182 = arith.constant 0 : i32
    %dma_wait3A_183 = arith.constant 0 : i32
    %dma_wait3A_184 = tpu.memref_slice %arg3[%dma_wait3A_177, %dma_wait3A_182, %dma_wait3A_183] : memref<13x100000x16xf32, #tpu.memory_space<hbm>> -> memref<1x100000x16xf32, #tpu.memory_space<hbm>>
    %dma_wait3A_185 = tpu.memref_squeeze %dma_wait3A_184 : memref<1x100000x16xf32, #tpu.memory_space<hbm>> -> memref<100000x16xf32, #tpu.memory_space<hbm>>
    %dma_wait3A_186 = arith.constant 0 : i32
    %dma_wait3A_187 = arith.constant 0 : i32
    %dma_wait3A_188 = tpu.memref_slice %dma_wait3A_185[%dma_wait3A_186, %dma_wait3A_187] : memref<100000x16xf32, #tpu.memory_space<hbm>> -> memref<100000x16xf32, #tpu.memory_space<hbm>>
    tpu.wait_indirect_dma semaphore(%arg18 : memref<!tpu.dma_semaphore, #tpu.memory_space<semaphore_mem>>) src(%dma_wait3A_188 : memref<100000x16xf32, #tpu.memory_space<hbm>>) dst(%arg10 : memref<512x16xf32, #tpu.memory_space<vmem>>)
    %dma_start3A_189 = arith.constant 48 : i32
    %dma_start3A_190 = tpu.memref_slice %arg5[%mul3A_2, %dma_start3A_189] : memref<16384x416xf32, #tpu.memory_space<hbm>> -> memref<512x16xf32, #tpu.memory_space<hbm>>
    %dma_start3A_191 = arith.constant 48 : i32
    %dma_start3A_192 = tpu.memref_slice %arg5[%mul3A_2, %dma_start3A_191] : memref<16384x416xf32, #tpu.memory_space<hbm>> -> memref<512x16xf32, #tpu.memory_space<hbm>>
    tpu.enqueue_dma source(%arg10 : memref<512x16xf32, #tpu.memory_space<vmem>>) target(%dma_start3A_192 : memref<512x16xf32, #tpu.memory_space<hbm>>) target_semaphore(%arg26 : memref<!tpu.dma_semaphore, #tpu.memory_space<semaphore_mem>>)
    %dma_wait3A_193 = arith.constant 32 : i32
    %dma_wait3A_194 = tpu.memref_slice %arg5[%mul3A_2, %dma_wait3A_193] : memref<16384x416xf32, #tpu.memory_space<hbm>> -> memref<512x16xf32, #tpu.memory_space<hbm>>
    %dma_wait3A_195 = arith.constant 32 : i32
    %dma_wait3A_196 = tpu.memref_slice %arg5[%mul3A_2, %dma_wait3A_195] : memref<16384x416xf32, #tpu.memory_space<hbm>> -> memref<512x16xf32, #tpu.memory_space<hbm>>
    tpu.wait_dma2 semaphore(%arg25 : memref<!tpu.dma_semaphore, #tpu.memory_space<semaphore_mem>>) src(%arg9 : memref<512x16xf32, #tpu.memory_space<vmem>>) dst(%dma_wait3A_196 : memref<512x16xf32, #tpu.memory_space<hbm>>)
    %dma_start3A_197 = arith.constant 10 : i32
    %dma_start3A_198 = arith.constant 10 : i32
    %dma_start3A_199 = arith.constant 0 : i32
    %dma_start3A_200 = tpu.memref_slice %arg6[%dma_start3A_198, %dma_start3A_199] : memref<26x512xi32, #tpu.memory_space<vmem>> -> memref<1x512xi32, #tpu.memory_space<vmem>>
    %dma_start3A_201 = tpu.memref_squeeze %dma_start3A_200 : memref<1x512xi32, #tpu.memory_space<vmem>> -> memref<512xi32, #tpu.memory_space<vmem>>
    %dma_start3A_202 = arith.constant 0 : i32
    %dma_start3A_203 = arith.constant 0 : i32
    %dma_start3A_204 = tpu.memref_slice %arg3[%dma_start3A_197, %dma_start3A_202, %dma_start3A_203] : memref<13x100000x16xf32, #tpu.memory_space<hbm>> -> memref<1x100000x16xf32, #tpu.memory_space<hbm>>
    %dma_start3A_205 = tpu.memref_squeeze %dma_start3A_204 : memref<1x100000x16xf32, #tpu.memory_space<hbm>> -> memref<100000x16xf32, #tpu.memory_space<hbm>>
    %dma_start3A_206 = arith.constant 0 : i32
    %dma_start3A_207 = arith.constant 0 : i32
    %dma_start3A_208 = tpu.memref_slice %dma_start3A_205[%dma_start3A_206, %dma_start3A_207] : memref<100000x16xf32, #tpu.memory_space<hbm>> -> memref<100000x16xf32, #tpu.memory_space<hbm>>
    tpu.enqueue_indirect_dma source(%dma_start3A_208 : memref<100000x16xf32, #tpu.memory_space<hbm>>) target(%arg9 : memref<512x16xf32, #tpu.memory_space<vmem>>) offsets(%dma_start3A_201 : memref<512xi32, #tpu.memory_space<vmem>>) semaphore(%arg17 : memref<!tpu.dma_semaphore, #tpu.memory_space<semaphore_mem>>)
    %dma_wait3A_209 = arith.constant 4 : i32
    %dma_wait3A_210 = arith.constant 4 : i32
    %dma_wait3A_211 = arith.constant 0 : i32
    %dma_wait3A_212 = tpu.memref_slice %arg6[%dma_wait3A_210, %dma_wait3A_211] : memref<26x512xi32, #tpu.memory_space<vmem>> -> memref<1x512xi32, #tpu.memory_space<vmem>>
    %dma_wait3A_213 = tpu.memref_squeeze %dma_wait3A_212 : memref<1x512xi32, #tpu.memory_space<vmem>> -> memref<512xi32, #tpu.memory_space<vmem>>
    %dma_wait3A_214 = arith.constant 0 : i32
    %dma_wait3A_215 = arith.constant 0 : i32
    %dma_wait3A_216 = tpu.memref_slice %arg3[%dma_wait3A_209, %dma_wait3A_214, %dma_wait3A_215] : memref<13x100000x16xf32, #tpu.memory_space<hbm>> -> memref<1x100000x16xf32, #tpu.memory_space<hbm>>
    %dma_wait3A_217 = tpu.memref_squeeze %dma_wait3A_216 : memref<1x100000x16xf32, #tpu.memory_space<hbm>> -> memref<100000x16xf32, #tpu.memory_space<hbm>>
    %dma_wait3A_218 = arith.constant 0 : i32
    %dma_wait3A_219 = arith.constant 0 : i32
    %dma_wait3A_220 = tpu.memref_slice %dma_wait3A_217[%dma_wait3A_218, %dma_wait3A_219] : memref<100000x16xf32, #tpu.memory_space<hbm>> -> memref<100000x16xf32, #tpu.memory_space<hbm>>
    tpu.wait_indirect_dma semaphore(%arg19 : memref<!tpu.dma_semaphore, #tpu.memory_space<semaphore_mem>>) src(%dma_wait3A_220 : memref<100000x16xf32, #tpu.memory_space<hbm>>) dst(%arg11 : memref<512x16xf32, #tpu.memory_space<vmem>>)
    %dma_start3A_221 = arith.constant 64 : i32
    %dma_start3A_222 = tpu.memref_slice %arg5[%mul3A_2, %dma_start3A_221] : memref<16384x416xf32, #tpu.memory_space<hbm>> -> memref<512x16xf32, #tpu.memory_space<hbm>>
    %dma_start3A_223 = arith.constant 64 : i32
    %dma_start3A_224 = tpu.memref_slice %arg5[%mul3A_2, %dma_start3A_223] : memref<16384x416xf32, #tpu.memory_space<hbm>> -> memref<512x16xf32, #tpu.memory_space<hbm>>
    tpu.enqueue_dma source(%arg11 : memref<512x16xf32, #tpu.memory_space<vmem>>) target(%dma_start3A_224 : memref<512x16xf32, #tpu.memory_space<hbm>>) target_semaphore(%arg27 : memref<!tpu.dma_semaphore, #tpu.memory_space<semaphore_mem>>)
    %dma_wait3A_225 = arith.constant 48 : i32
    %dma_wait3A_226 = tpu.memref_slice %arg5[%mul3A_2, %dma_wait3A_225] : memref<16384x416xf32, #tpu.memory_space<hbm>> -> memref<512x16xf32, #tpu.memory_space<hbm>>
    %dma_wait3A_227 = arith.constant 48 : i32
    %dma_wait3A_228 = tpu.memref_slice %arg5[%mul3A_2, %dma_wait3A_227] : memref<16384x416xf32, #tpu.memory_space<hbm>> -> memref<512x16xf32, #tpu.memory_space<hbm>>
    tpu.wait_dma2 semaphore(%arg26 : memref<!tpu.dma_semaphore, #tpu.memory_space<semaphore_mem>>) src(%arg10 : memref<512x16xf32, #tpu.memory_space<vmem>>) dst(%dma_wait3A_228 : memref<512x16xf32, #tpu.memory_space<hbm>>)
    %dma_start3A_229 = arith.constant 11 : i32
    %dma_start3A_230 = arith.constant 11 : i32
    %dma_start3A_231 = arith.constant 0 : i32
    %dma_start3A_232 = tpu.memref_slice %arg6[%dma_start3A_230, %dma_start3A_231] : memref<26x512xi32, #tpu.memory_space<vmem>> -> memref<1x512xi32, #tpu.memory_space<vmem>>
    %dma_start3A_233 = tpu.memref_squeeze %dma_start3A_232 : memref<1x512xi32, #tpu.memory_space<vmem>> -> memref<512xi32, #tpu.memory_space<vmem>>
    %dma_start3A_234 = arith.constant 0 : i32
    %dma_start3A_235 = arith.constant 0 : i32
    %dma_start3A_236 = tpu.memref_slice %arg3[%dma_start3A_229, %dma_start3A_234, %dma_start3A_235] : memref<13x100000x16xf32, #tpu.memory_space<hbm>> -> memref<1x100000x16xf32, #tpu.memory_space<hbm>>
    %dma_start3A_237 = tpu.memref_squeeze %dma_start3A_236 : memref<1x100000x16xf32, #tpu.memory_space<hbm>> -> memref<100000x16xf32, #tpu.memory_space<hbm>>
    %dma_start3A_238 = arith.constant 0 : i32
    %dma_start3A_239 = arith.constant 0 : i32
    %dma_start3A_240 = tpu.memref_slice %dma_start3A_237[%dma_start3A_238, %dma_start3A_239] : memref<100000x16xf32, #tpu.memory_space<hbm>> -> memref<100000x16xf32, #tpu.memory_space<hbm>>
    tpu.enqueue_indirect_dma source(%dma_start3A_240 : memref<100000x16xf32, #tpu.memory_space<hbm>>) target(%arg10 : memref<512x16xf32, #tpu.memory_space<vmem>>) offsets(%dma_start3A_233 : memref<512xi32, #tpu.memory_space<vmem>>) semaphore(%arg18 : memref<!tpu.dma_semaphore, #tpu.memory_space<semaphore_mem>>)
    %dma_wait3A_241 = arith.constant 5 : i32
    %dma_wait3A_242 = arith.constant 5 : i32
    %dma_wait3A_243 = arith.constant 0 : i32
    %dma_wait3A_244 = tpu.memref_slice %arg6[%dma_wait3A_242, %dma_wait3A_243] : memref<26x512xi32, #tpu.memory_space<vmem>> -> memref<1x512xi32, #tpu.memory_space<vmem>>
    %dma_wait3A_245 = tpu.memref_squeeze %dma_wait3A_244 : memref<1x512xi32, #tpu.memory_space<vmem>> -> memref<512xi32, #tpu.memory_space<vmem>>
    %dma_wait3A_246 = arith.constant 0 : i32
    %dma_wait3A_247 = arith.constant 0 : i32
    %dma_wait3A_248 = tpu.memref_slice %arg3[%dma_wait3A_241, %dma_wait3A_246, %dma_wait3A_247] : memref<13x100000x16xf32, #tpu.memory_space<hbm>> -> memref<1x100000x16xf32, #tpu.memory_space<hbm>>
    %dma_wait3A_249 = tpu.memref_squeeze %dma_wait3A_248 : memref<1x100000x16xf32, #tpu.memory_space<hbm>> -> memref<100000x16xf32, #tpu.memory_space<hbm>>
    %dma_wait3A_250 = arith.constant 0 : i32
    %dma_wait3A_251 = arith.constant 0 : i32
    %dma_wait3A_252 = tpu.memref_slice %dma_wait3A_249[%dma_wait3A_250, %dma_wait3A_251] : memref<100000x16xf32, #tpu.memory_space<hbm>> -> memref<100000x16xf32, #tpu.memory_space<hbm>>
    tpu.wait_indirect_dma semaphore(%arg20 : memref<!tpu.dma_semaphore, #tpu.memory_space<semaphore_mem>>) src(%dma_wait3A_252 : memref<100000x16xf32, #tpu.memory_space<hbm>>) dst(%arg12 : memref<512x16xf32, #tpu.memory_space<vmem>>)
    %dma_start3A_253 = arith.constant 80 : i32
    %dma_start3A_254 = tpu.memref_slice %arg5[%mul3A_2, %dma_start3A_253] : memref<16384x416xf32, #tpu.memory_space<hbm>> -> memref<512x16xf32, #tpu.memory_space<hbm>>
    %dma_start3A_255 = arith.constant 80 : i32
    %dma_start3A_256 = tpu.memref_slice %arg5[%mul3A_2, %dma_start3A_255] : memref<16384x416xf32, #tpu.memory_space<hbm>> -> memref<512x16xf32, #tpu.memory_space<hbm>>
    tpu.enqueue_dma source(%arg12 : memref<512x16xf32, #tpu.memory_space<vmem>>) target(%dma_start3A_256 : memref<512x16xf32, #tpu.memory_space<hbm>>) target_semaphore(%arg28 : memref<!tpu.dma_semaphore, #tpu.memory_space<semaphore_mem>>)
    %dma_wait3A_257 = arith.constant 64 : i32
    %dma_wait3A_258 = tpu.memref_slice %arg5[%mul3A_2, %dma_wait3A_257] : memref<16384x416xf32, #tpu.memory_space<hbm>> -> memref<512x16xf32, #tpu.memory_space<hbm>>
    %dma_wait3A_259 = arith.constant 64 : i32
    %dma_wait3A_260 = tpu.memref_slice %arg5[%mul3A_2, %dma_wait3A_259] : memref<16384x416xf32, #tpu.memory_space<hbm>> -> memref<512x16xf32, #tpu.memory_space<hbm>>
    tpu.wait_dma2 semaphore(%arg27 : memref<!tpu.dma_semaphore, #tpu.memory_space<semaphore_mem>>) src(%arg11 : memref<512x16xf32, #tpu.memory_space<vmem>>) dst(%dma_wait3A_260 : memref<512x16xf32, #tpu.memory_space<hbm>>)
    %dma_start3A_261 = arith.constant 12 : i32
    %dma_start3A_262 = arith.constant 12 : i32
    %dma_start3A_263 = arith.constant 0 : i32
    %dma_start3A_264 = tpu.memref_slice %arg6[%dma_start3A_262, %dma_start3A_263] : memref<26x512xi32, #tpu.memory_space<vmem>> -> memref<1x512xi32, #tpu.memory_space<vmem>>
    %dma_start3A_265 = tpu.memref_squeeze %dma_start3A_264 : memref<1x512xi32, #tpu.memory_space<vmem>> -> memref<512xi32, #tpu.memory_space<vmem>>
    %dma_start3A_266 = arith.constant 0 : i32
    %dma_start3A_267 = arith.constant 0 : i32
    %dma_start3A_268 = tpu.memref_slice %arg3[%dma_start3A_261, %dma_start3A_266, %dma_start3A_267] : memref<13x100000x16xf32, #tpu.memory_space<hbm>> -> memref<1x100000x16xf32, #tpu.memory_space<hbm>>
    %dma_start3A_269 = tpu.memref_squeeze %dma_start3A_268 : memref<1x100000x16xf32, #tpu.memory_space<hbm>> -> memref<100000x16xf32, #tpu.memory_space<hbm>>
    %dma_start3A_270 = arith.constant 0 : i32
    %dma_start3A_271 = arith.constant 0 : i32
    %dma_start3A_272 = tpu.memref_slice %dma_start3A_269[%dma_start3A_270, %dma_start3A_271] : memref<100000x16xf32, #tpu.memory_space<hbm>> -> memref<100000x16xf32, #tpu.memory_space<hbm>>
    tpu.enqueue_indirect_dma source(%dma_start3A_272 : memref<100000x16xf32, #tpu.memory_space<hbm>>) target(%arg11 : memref<512x16xf32, #tpu.memory_space<vmem>>) offsets(%dma_start3A_265 : memref<512xi32, #tpu.memory_space<vmem>>) semaphore(%arg19 : memref<!tpu.dma_semaphore, #tpu.memory_space<semaphore_mem>>)
    %dma_wait3A_273 = arith.constant 6 : i32
    %dma_wait3A_274 = arith.constant 6 : i32
    %dma_wait3A_275 = arith.constant 0 : i32
    %dma_wait3A_276 = tpu.memref_slice %arg6[%dma_wait3A_274, %dma_wait3A_275] : memref<26x512xi32, #tpu.memory_space<vmem>> -> memref<1x512xi32, #tpu.memory_space<vmem>>
    %dma_wait3A_277 = tpu.memref_squeeze %dma_wait3A_276 : memref<1x512xi32, #tpu.memory_space<vmem>> -> memref<512xi32, #tpu.memory_space<vmem>>
    %dma_wait3A_278 = arith.constant 0 : i32
    %dma_wait3A_279 = arith.constant 0 : i32
    %dma_wait3A_280 = tpu.memref_slice %arg3[%dma_wait3A_273, %dma_wait3A_278, %dma_wait3A_279] : memref<13x100000x16xf32, #tpu.memory_space<hbm>> -> memref<1x100000x16xf32, #tpu.memory_space<hbm>>
    %dma_wait3A_281 = tpu.memref_squeeze %dma_wait3A_280 : memref<1x100000x16xf32, #tpu.memory_space<hbm>> -> memref<100000x16xf32, #tpu.memory_space<hbm>>
    %dma_wait3A_282 = arith.constant 0 : i32
    %dma_wait3A_283 = arith.constant 0 : i32
    %dma_wait3A_284 = tpu.memref_slice %dma_wait3A_281[%dma_wait3A_282, %dma_wait3A_283] : memref<100000x16xf32, #tpu.memory_space<hbm>> -> memref<100000x16xf32, #tpu.memory_space<hbm>>
    tpu.wait_indirect_dma semaphore(%arg21 : memref<!tpu.dma_semaphore, #tpu.memory_space<semaphore_mem>>) src(%dma_wait3A_284 : memref<100000x16xf32, #tpu.memory_space<hbm>>) dst(%arg13 : memref<512x16xf32, #tpu.memory_space<vmem>>)
    %dma_start3A_285 = arith.constant 96 : i32
    %dma_start3A_286 = tpu.memref_slice %arg5[%mul3A_2, %dma_start3A_285] : memref<16384x416xf32, #tpu.memory_space<hbm>> -> memref<512x16xf32, #tpu.memory_space<hbm>>
    %dma_start3A_287 = arith.constant 96 : i32
    %dma_start3A_288 = tpu.memref_slice %arg5[%mul3A_2, %dma_start3A_287] : memref<16384x416xf32, #tpu.memory_space<hbm>> -> memref<512x16xf32, #tpu.memory_space<hbm>>
    tpu.enqueue_dma source(%arg13 : memref<512x16xf32, #tpu.memory_space<vmem>>) target(%dma_start3A_288 : memref<512x16xf32, #tpu.memory_space<hbm>>) target_semaphore(%arg29 : memref<!tpu.dma_semaphore, #tpu.memory_space<semaphore_mem>>)
    %dma_wait3A_289 = arith.constant 80 : i32
    %dma_wait3A_290 = tpu.memref_slice %arg5[%mul3A_2, %dma_wait3A_289] : memref<16384x416xf32, #tpu.memory_space<hbm>> -> memref<512x16xf32, #tpu.memory_space<hbm>>
    %dma_wait3A_291 = arith.constant 80 : i32
    %dma_wait3A_292 = tpu.memref_slice %arg5[%mul3A_2, %dma_wait3A_291] : memref<16384x416xf32, #tpu.memory_space<hbm>> -> memref<512x16xf32, #tpu.memory_space<hbm>>
    tpu.wait_dma2 semaphore(%arg28 : memref<!tpu.dma_semaphore, #tpu.memory_space<semaphore_mem>>) src(%arg12 : memref<512x16xf32, #tpu.memory_space<vmem>>) dst(%dma_wait3A_292 : memref<512x16xf32, #tpu.memory_space<hbm>>)
    %dma_start3A_293 = arith.constant 0 : i32
    %dma_start3A_294 = arith.constant 13 : i32
    %dma_start3A_295 = arith.constant 0 : i32
    %dma_start3A_296 = tpu.memref_slice %arg6[%dma_start3A_294, %dma_start3A_295] : memref<26x512xi32, #tpu.memory_space<vmem>> -> memref<1x512xi32, #tpu.memory_space<vmem>>
    %dma_start3A_297 = tpu.memref_squeeze %dma_start3A_296 : memref<1x512xi32, #tpu.memory_space<vmem>> -> memref<512xi32, #tpu.memory_space<vmem>>
    %dma_start3A_298 = arith.constant 0 : i32
    %dma_start3A_299 = arith.constant 0 : i32
    %dma_start3A_300 = tpu.memref_slice %arg4[%dma_start3A_293, %dma_start3A_298, %dma_start3A_299] : memref<13x100000x16xf32, #tpu.memory_space<hbm>> -> memref<1x100000x16xf32, #tpu.memory_space<hbm>>
    %dma_start3A_301 = tpu.memref_squeeze %dma_start3A_300 : memref<1x100000x16xf32, #tpu.memory_space<hbm>> -> memref<100000x16xf32, #tpu.memory_space<hbm>>
    %dma_start3A_302 = arith.constant 0 : i32
    %dma_start3A_303 = arith.constant 0 : i32
    %dma_start3A_304 = tpu.memref_slice %dma_start3A_301[%dma_start3A_302, %dma_start3A_303] : memref<100000x16xf32, #tpu.memory_space<hbm>> -> memref<100000x16xf32, #tpu.memory_space<hbm>>
    tpu.enqueue_indirect_dma source(%dma_start3A_304 : memref<100000x16xf32, #tpu.memory_space<hbm>>) target(%arg12 : memref<512x16xf32, #tpu.memory_space<vmem>>) offsets(%dma_start3A_297 : memref<512xi32, #tpu.memory_space<vmem>>) semaphore(%arg20 : memref<!tpu.dma_semaphore, #tpu.memory_space<semaphore_mem>>)
    %dma_wait3A_305 = arith.constant 7 : i32
    %dma_wait3A_306 = arith.constant 7 : i32
    %dma_wait3A_307 = arith.constant 0 : i32
    %dma_wait3A_308 = tpu.memref_slice %arg6[%dma_wait3A_306, %dma_wait3A_307] : memref<26x512xi32, #tpu.memory_space<vmem>> -> memref<1x512xi32, #tpu.memory_space<vmem>>
    %dma_wait3A_309 = tpu.memref_squeeze %dma_wait3A_308 : memref<1x512xi32, #tpu.memory_space<vmem>> -> memref<512xi32, #tpu.memory_space<vmem>>
    %dma_wait3A_310 = arith.constant 0 : i32
    %dma_wait3A_311 = arith.constant 0 : i32
    %dma_wait3A_312 = tpu.memref_slice %arg3[%dma_wait3A_305, %dma_wait3A_310, %dma_wait3A_311] : memref<13x100000x16xf32, #tpu.memory_space<hbm>> -> memref<1x100000x16xf32, #tpu.memory_space<hbm>>
    %dma_wait3A_313 = tpu.memref_squeeze %dma_wait3A_312 : memref<1x100000x16xf32, #tpu.memory_space<hbm>> -> memref<100000x16xf32, #tpu.memory_space<hbm>>
    %dma_wait3A_314 = arith.constant 0 : i32
    %dma_wait3A_315 = arith.constant 0 : i32
    %dma_wait3A_316 = tpu.memref_slice %dma_wait3A_313[%dma_wait3A_314, %dma_wait3A_315] : memref<100000x16xf32, #tpu.memory_space<hbm>> -> memref<100000x16xf32, #tpu.memory_space<hbm>>
    tpu.wait_indirect_dma semaphore(%arg22 : memref<!tpu.dma_semaphore, #tpu.memory_space<semaphore_mem>>) src(%dma_wait3A_316 : memref<100000x16xf32, #tpu.memory_space<hbm>>) dst(%arg14 : memref<512x16xf32, #tpu.memory_space<vmem>>)
    %dma_start3A_317 = arith.constant 112 : i32
    %dma_start3A_318 = tpu.memref_slice %arg5[%mul3A_2, %dma_start3A_317] : memref<16384x416xf32, #tpu.memory_space<hbm>> -> memref<512x16xf32, #tpu.memory_space<hbm>>
    %dma_start3A_319 = arith.constant 112 : i32
    %dma_start3A_320 = tpu.memref_slice %arg5[%mul3A_2, %dma_start3A_319] : memref<16384x416xf32, #tpu.memory_space<hbm>> -> memref<512x16xf32, #tpu.memory_space<hbm>>
    tpu.enqueue_dma source(%arg14 : memref<512x16xf32, #tpu.memory_space<vmem>>) target(%dma_start3A_320 : memref<512x16xf32, #tpu.memory_space<hbm>>) target_semaphore(%arg30 : memref<!tpu.dma_semaphore, #tpu.memory_space<semaphore_mem>>)
    %dma_wait3A_321 = arith.constant 96 : i32
    %dma_wait3A_322 = tpu.memref_slice %arg5[%mul3A_2, %dma_wait3A_321] : memref<16384x416xf32, #tpu.memory_space<hbm>> -> memref<512x16xf32, #tpu.memory_space<hbm>>
    %dma_wait3A_323 = arith.constant 96 : i32
    %dma_wait3A_324 = tpu.memref_slice %arg5[%mul3A_2, %dma_wait3A_323] : memref<16384x416xf32, #tpu.memory_space<hbm>> -> memref<512x16xf32, #tpu.memory_space<hbm>>
    tpu.wait_dma2 semaphore(%arg29 : memref<!tpu.dma_semaphore, #tpu.memory_space<semaphore_mem>>) src(%arg13 : memref<512x16xf32, #tpu.memory_space<vmem>>) dst(%dma_wait3A_324 : memref<512x16xf32, #tpu.memory_space<hbm>>)
    %dma_start3A_325 = arith.constant 1 : i32
    %dma_start3A_326 = arith.constant 14 : i32
    %dma_start3A_327 = arith.constant 0 : i32
    %dma_start3A_328 = tpu.memref_slice %arg6[%dma_start3A_326, %dma_start3A_327] : memref<26x512xi32, #tpu.memory_space<vmem>> -> memref<1x512xi32, #tpu.memory_space<vmem>>
    %dma_start3A_329 = tpu.memref_squeeze %dma_start3A_328 : memref<1x512xi32, #tpu.memory_space<vmem>> -> memref<512xi32, #tpu.memory_space<vmem>>
    %dma_start3A_330 = arith.constant 0 : i32
    %dma_start3A_331 = arith.constant 0 : i32
    %dma_start3A_332 = tpu.memref_slice %arg4[%dma_start3A_325, %dma_start3A_330, %dma_start3A_331] : memref<13x100000x16xf32, #tpu.memory_space<hbm>> -> memref<1x100000x16xf32, #tpu.memory_space<hbm>>
    %dma_start3A_333 = tpu.memref_squeeze %dma_start3A_332 : memref<1x100000x16xf32, #tpu.memory_space<hbm>> -> memref<100000x16xf32, #tpu.memory_space<hbm>>
    %dma_start3A_334 = arith.constant 0 : i32
    %dma_start3A_335 = arith.constant 0 : i32
    %dma_start3A_336 = tpu.memref_slice %dma_start3A_333[%dma_start3A_334, %dma_start3A_335] : memref<100000x16xf32, #tpu.memory_space<hbm>> -> memref<100000x16xf32, #tpu.memory_space<hbm>>
    tpu.enqueue_indirect_dma source(%dma_start3A_336 : memref<100000x16xf32, #tpu.memory_space<hbm>>) target(%arg13 : memref<512x16xf32, #tpu.memory_space<vmem>>) offsets(%dma_start3A_329 : memref<512xi32, #tpu.memory_space<vmem>>) semaphore(%arg21 : memref<!tpu.dma_semaphore, #tpu.memory_space<semaphore_mem>>)
    %dma_wait3A_337 = arith.constant 8 : i32
    %dma_wait3A_338 = arith.constant 8 : i32
    %dma_wait3A_339 = arith.constant 0 : i32
    %dma_wait3A_340 = tpu.memref_slice %arg6[%dma_wait3A_338, %dma_wait3A_339] : memref<26x512xi32, #tpu.memory_space<vmem>> -> memref<1x512xi32, #tpu.memory_space<vmem>>
    %dma_wait3A_341 = tpu.memref_squeeze %dma_wait3A_340 : memref<1x512xi32, #tpu.memory_space<vmem>> -> memref<512xi32, #tpu.memory_space<vmem>>
    %dma_wait3A_342 = arith.constant 0 : i32
    %dma_wait3A_343 = arith.constant 0 : i32
    %dma_wait3A_344 = tpu.memref_slice %arg3[%dma_wait3A_337, %dma_wait3A_342, %dma_wait3A_343] : memref<13x100000x16xf32, #tpu.memory_space<hbm>> -> memref<1x100000x16xf32, #tpu.memory_space<hbm>>
    %dma_wait3A_345 = tpu.memref_squeeze %dma_wait3A_344 : memref<1x100000x16xf32, #tpu.memory_space<hbm>> -> memref<100000x16xf32, #tpu.memory_space<hbm>>
    %dma_wait3A_346 = arith.constant 0 : i32
    %dma_wait3A_347 = arith.constant 0 : i32
    %dma_wait3A_348 = tpu.memref_slice %dma_wait3A_345[%dma_wait3A_346, %dma_wait3A_347] : memref<100000x16xf32, #tpu.memory_space<hbm>> -> memref<100000x16xf32, #tpu.memory_space<hbm>>
    tpu.wait_indirect_dma semaphore(%arg15 : memref<!tpu.dma_semaphore, #tpu.memory_space<semaphore_mem>>) src(%dma_wait3A_348 : memref<100000x16xf32, #tpu.memory_space<hbm>>) dst(%arg7 : memref<512x16xf32, #tpu.memory_space<vmem>>)
    %dma_start3A_349 = arith.constant 128 : i32
    %dma_start3A_350 = tpu.memref_slice %arg5[%mul3A_2, %dma_start3A_349] : memref<16384x416xf32, #tpu.memory_space<hbm>> -> memref<512x16xf32, #tpu.memory_space<hbm>>
    %dma_start3A_351 = arith.constant 128 : i32
    %dma_start3A_352 = tpu.memref_slice %arg5[%mul3A_2, %dma_start3A_351] : memref<16384x416xf32, #tpu.memory_space<hbm>> -> memref<512x16xf32, #tpu.memory_space<hbm>>
    tpu.enqueue_dma source(%arg7 : memref<512x16xf32, #tpu.memory_space<vmem>>) target(%dma_start3A_352 : memref<512x16xf32, #tpu.memory_space<hbm>>) target_semaphore(%arg23 : memref<!tpu.dma_semaphore, #tpu.memory_space<semaphore_mem>>)
    %dma_wait3A_353 = arith.constant 112 : i32
    %dma_wait3A_354 = tpu.memref_slice %arg5[%mul3A_2, %dma_wait3A_353] : memref<16384x416xf32, #tpu.memory_space<hbm>> -> memref<512x16xf32, #tpu.memory_space<hbm>>
    %dma_wait3A_355 = arith.constant 112 : i32
    %dma_wait3A_356 = tpu.memref_slice %arg5[%mul3A_2, %dma_wait3A_355] : memref<16384x416xf32, #tpu.memory_space<hbm>> -> memref<512x16xf32, #tpu.memory_space<hbm>>
    tpu.wait_dma2 semaphore(%arg30 : memref<!tpu.dma_semaphore, #tpu.memory_space<semaphore_mem>>) src(%arg14 : memref<512x16xf32, #tpu.memory_space<vmem>>) dst(%dma_wait3A_356 : memref<512x16xf32, #tpu.memory_space<hbm>>)
    %dma_start3A_357 = arith.constant 2 : i32
    %dma_start3A_358 = arith.constant 15 : i32
    %dma_start3A_359 = arith.constant 0 : i32
    %dma_start3A_360 = tpu.memref_slice %arg6[%dma_start3A_358, %dma_start3A_359] : memref<26x512xi32, #tpu.memory_space<vmem>> -> memref<1x512xi32, #tpu.memory_space<vmem>>
    %dma_start3A_361 = tpu.memref_squeeze %dma_start3A_360 : memref<1x512xi32, #tpu.memory_space<vmem>> -> memref<512xi32, #tpu.memory_space<vmem>>
    %dma_start3A_362 = arith.constant 0 : i32
    %dma_start3A_363 = arith.constant 0 : i32
    %dma_start3A_364 = tpu.memref_slice %arg4[%dma_start3A_357, %dma_start3A_362, %dma_start3A_363] : memref<13x100000x16xf32, #tpu.memory_space<hbm>> -> memref<1x100000x16xf32, #tpu.memory_space<hbm>>
    %dma_start3A_365 = tpu.memref_squeeze %dma_start3A_364 : memref<1x100000x16xf32, #tpu.memory_space<hbm>> -> memref<100000x16xf32, #tpu.memory_space<hbm>>
    %dma_start3A_366 = arith.constant 0 : i32
    %dma_start3A_367 = arith.constant 0 : i32
    %dma_start3A_368 = tpu.memref_slice %dma_start3A_365[%dma_start3A_366, %dma_start3A_367] : memref<100000x16xf32, #tpu.memory_space<hbm>> -> memref<100000x16xf32, #tpu.memory_space<hbm>>
    tpu.enqueue_indirect_dma source(%dma_start3A_368 : memref<100000x16xf32, #tpu.memory_space<hbm>>) target(%arg14 : memref<512x16xf32, #tpu.memory_space<vmem>>) offsets(%dma_start3A_361 : memref<512xi32, #tpu.memory_space<vmem>>) semaphore(%arg22 : memref<!tpu.dma_semaphore, #tpu.memory_space<semaphore_mem>>)
    %dma_wait3A_369 = arith.constant 9 : i32
    %dma_wait3A_370 = arith.constant 9 : i32
    %dma_wait3A_371 = arith.constant 0 : i32
    %dma_wait3A_372 = tpu.memref_slice %arg6[%dma_wait3A_370, %dma_wait3A_371] : memref<26x512xi32, #tpu.memory_space<vmem>> -> memref<1x512xi32, #tpu.memory_space<vmem>>
    %dma_wait3A_373 = tpu.memref_squeeze %dma_wait3A_372 : memref<1x512xi32, #tpu.memory_space<vmem>> -> memref<512xi32, #tpu.memory_space<vmem>>
    %dma_wait3A_374 = arith.constant 0 : i32
    %dma_wait3A_375 = arith.constant 0 : i32
    %dma_wait3A_376 = tpu.memref_slice %arg3[%dma_wait3A_369, %dma_wait3A_374, %dma_wait3A_375] : memref<13x100000x16xf32, #tpu.memory_space<hbm>> -> memref<1x100000x16xf32, #tpu.memory_space<hbm>>
    %dma_wait3A_377 = tpu.memref_squeeze %dma_wait3A_376 : memref<1x100000x16xf32, #tpu.memory_space<hbm>> -> memref<100000x16xf32, #tpu.memory_space<hbm>>
    %dma_wait3A_378 = arith.constant 0 : i32
    %dma_wait3A_379 = arith.constant 0 : i32
    %dma_wait3A_380 = tpu.memref_slice %dma_wait3A_377[%dma_wait3A_378, %dma_wait3A_379] : memref<100000x16xf32, #tpu.memory_space<hbm>> -> memref<100000x16xf32, #tpu.memory_space<hbm>>
    tpu.wait_indirect_dma semaphore(%arg16 : memref<!tpu.dma_semaphore, #tpu.memory_space<semaphore_mem>>) src(%dma_wait3A_380 : memref<100000x16xf32, #tpu.memory_space<hbm>>) dst(%arg8 : memref<512x16xf32, #tpu.memory_space<vmem>>)
    %dma_start3A_381 = arith.constant 144 : i32
    %dma_start3A_382 = tpu.memref_slice %arg5[%mul3A_2, %dma_start3A_381] : memref<16384x416xf32, #tpu.memory_space<hbm>> -> memref<512x16xf32, #tpu.memory_space<hbm>>
    %dma_start3A_383 = arith.constant 144 : i32
    %dma_start3A_384 = tpu.memref_slice %arg5[%mul3A_2, %dma_start3A_383] : memref<16384x416xf32, #tpu.memory_space<hbm>> -> memref<512x16xf32, #tpu.memory_space<hbm>>
    tpu.enqueue_dma source(%arg8 : memref<512x16xf32, #tpu.memory_space<vmem>>) target(%dma_start3A_384 : memref<512x16xf32, #tpu.memory_space<hbm>>) target_semaphore(%arg24 : memref<!tpu.dma_semaphore, #tpu.memory_space<semaphore_mem>>)
    %dma_wait3A_385 = arith.constant 128 : i32
    %dma_wait3A_386 = tpu.memref_slice %arg5[%mul3A_2, %dma_wait3A_385] : memref<16384x416xf32, #tpu.memory_space<hbm>> -> memref<512x16xf32, #tpu.memory_space<hbm>>
    %dma_wait3A_387 = arith.constant 128 : i32
    %dma_wait3A_388 = tpu.memref_slice %arg5[%mul3A_2, %dma_wait3A_387] : memref<16384x416xf32, #tpu.memory_space<hbm>> -> memref<512x16xf32, #tpu.memory_space<hbm>>
    tpu.wait_dma2 semaphore(%arg23 : memref<!tpu.dma_semaphore, #tpu.memory_space<semaphore_mem>>) src(%arg7 : memref<512x16xf32, #tpu.memory_space<vmem>>) dst(%dma_wait3A_388 : memref<512x16xf32, #tpu.memory_space<hbm>>)
    %dma_start3A_389 = arith.constant 3 : i32
    %dma_start3A_390 = arith.constant 16 : i32
    %dma_start3A_391 = arith.constant 0 : i32
    %dma_start3A_392 = tpu.memref_slice %arg6[%dma_start3A_390, %dma_start3A_391] : memref<26x512xi32, #tpu.memory_space<vmem>> -> memref<1x512xi32, #tpu.memory_space<vmem>>
    %dma_start3A_393 = tpu.memref_squeeze %dma_start3A_392 : memref<1x512xi32, #tpu.memory_space<vmem>> -> memref<512xi32, #tpu.memory_space<vmem>>
    %dma_start3A_394 = arith.constant 0 : i32
    %dma_start3A_395 = arith.constant 0 : i32
    %dma_start3A_396 = tpu.memref_slice %arg4[%dma_start3A_389, %dma_start3A_394, %dma_start3A_395] : memref<13x100000x16xf32, #tpu.memory_space<hbm>> -> memref<1x100000x16xf32, #tpu.memory_space<hbm>>
    %dma_start3A_397 = tpu.memref_squeeze %dma_start3A_396 : memref<1x100000x16xf32, #tpu.memory_space<hbm>> -> memref<100000x16xf32, #tpu.memory_space<hbm>>
    %dma_start3A_398 = arith.constant 0 : i32
    %dma_start3A_399 = arith.constant 0 : i32
    %dma_start3A_400 = tpu.memref_slice %dma_start3A_397[%dma_start3A_398, %dma_start3A_399] : memref<100000x16xf32, #tpu.memory_space<hbm>> -> memref<100000x16xf32, #tpu.memory_space<hbm>>
    tpu.enqueue_indirect_dma source(%dma_start3A_400 : memref<100000x16xf32, #tpu.memory_space<hbm>>) target(%arg7 : memref<512x16xf32, #tpu.memory_space<vmem>>) offsets(%dma_start3A_393 : memref<512xi32, #tpu.memory_space<vmem>>) semaphore(%arg15 : memref<!tpu.dma_semaphore, #tpu.memory_space<semaphore_mem>>)
    %dma_wait3A_401 = arith.constant 10 : i32
    %dma_wait3A_402 = arith.constant 10 : i32
    %dma_wait3A_403 = arith.constant 0 : i32
    %dma_wait3A_404 = tpu.memref_slice %arg6[%dma_wait3A_402, %dma_wait3A_403] : memref<26x512xi32, #tpu.memory_space<vmem>> -> memref<1x512xi32, #tpu.memory_space<vmem>>
    %dma_wait3A_405 = tpu.memref_squeeze %dma_wait3A_404 : memref<1x512xi32, #tpu.memory_space<vmem>> -> memref<512xi32, #tpu.memory_space<vmem>>
    %dma_wait3A_406 = arith.constant 0 : i32
    %dma_wait3A_407 = arith.constant 0 : i32
    %dma_wait3A_408 = tpu.memref_slice %arg3[%dma_wait3A_401, %dma_wait3A_406, %dma_wait3A_407] : memref<13x100000x16xf32, #tpu.memory_space<hbm>> -> memref<1x100000x16xf32, #tpu.memory_space<hbm>>
    %dma_wait3A_409 = tpu.memref_squeeze %dma_wait3A_408 : memref<1x100000x16xf32, #tpu.memory_space<hbm>> -> memref<100000x16xf32, #tpu.memory_space<hbm>>
    %dma_wait3A_410 = arith.constant 0 : i32
    %dma_wait3A_411 = arith.constant 0 : i32
    %dma_wait3A_412 = tpu.memref_slice %dma_wait3A_409[%dma_wait3A_410, %dma_wait3A_411] : memref<100000x16xf32, #tpu.memory_space<hbm>> -> memref<100000x16xf32, #tpu.memory_space<hbm>>
    tpu.wait_indirect_dma semaphore(%arg17 : memref<!tpu.dma_semaphore, #tpu.memory_space<semaphore_mem>>) src(%dma_wait3A_412 : memref<100000x16xf32, #tpu.memory_space<hbm>>) dst(%arg9 : memref<512x16xf32, #tpu.memory_space<vmem>>)
    %dma_start3A_413 = arith.constant 160 : i32
    %dma_start3A_414 = tpu.memref_slice %arg5[%mul3A_2, %dma_start3A_413] : memref<16384x416xf32, #tpu.memory_space<hbm>> -> memref<512x16xf32, #tpu.memory_space<hbm>>
    %dma_start3A_415 = arith.constant 160 : i32
    %dma_start3A_416 = tpu.memref_slice %arg5[%mul3A_2, %dma_start3A_415] : memref<16384x416xf32, #tpu.memory_space<hbm>> -> memref<512x16xf32, #tpu.memory_space<hbm>>
    tpu.enqueue_dma source(%arg9 : memref<512x16xf32, #tpu.memory_space<vmem>>) target(%dma_start3A_416 : memref<512x16xf32, #tpu.memory_space<hbm>>) target_semaphore(%arg25 : memref<!tpu.dma_semaphore, #tpu.memory_space<semaphore_mem>>)
    %dma_wait3A_417 = arith.constant 144 : i32
    %dma_wait3A_418 = tpu.memref_slice %arg5[%mul3A_2, %dma_wait3A_417] : memref<16384x416xf32, #tpu.memory_space<hbm>> -> memref<512x16xf32, #tpu.memory_space<hbm>>
    %dma_wait3A_419 = arith.constant 144 : i32
    %dma_wait3A_420 = tpu.memref_slice %arg5[%mul3A_2, %dma_wait3A_419] : memref<16384x416xf32, #tpu.memory_space<hbm>> -> memref<512x16xf32, #tpu.memory_space<hbm>>
    tpu.wait_dma2 semaphore(%arg24 : memref<!tpu.dma_semaphore, #tpu.memory_space<semaphore_mem>>) src(%arg8 : memref<512x16xf32, #tpu.memory_space<vmem>>) dst(%dma_wait3A_420 : memref<512x16xf32, #tpu.memory_space<hbm>>)
    %dma_start3A_421 = arith.constant 4 : i32
    %dma_start3A_422 = arith.constant 17 : i32
    %dma_start3A_423 = arith.constant 0 : i32
    %dma_start3A_424 = tpu.memref_slice %arg6[%dma_start3A_422, %dma_start3A_423] : memref<26x512xi32, #tpu.memory_space<vmem>> -> memref<1x512xi32, #tpu.memory_space<vmem>>
    %dma_start3A_425 = tpu.memref_squeeze %dma_start3A_424 : memref<1x512xi32, #tpu.memory_space<vmem>> -> memref<512xi32, #tpu.memory_space<vmem>>
    %dma_start3A_426 = arith.constant 0 : i32
    %dma_start3A_427 = arith.constant 0 : i32
    %dma_start3A_428 = tpu.memref_slice %arg4[%dma_start3A_421, %dma_start3A_426, %dma_start3A_427] : memref<13x100000x16xf32, #tpu.memory_space<hbm>> -> memref<1x100000x16xf32, #tpu.memory_space<hbm>>
    %dma_start3A_429 = tpu.memref_squeeze %dma_start3A_428 : memref<1x100000x16xf32, #tpu.memory_space<hbm>> -> memref<100000x16xf32, #tpu.memory_space<hbm>>
    %dma_start3A_430 = arith.constant 0 : i32
    %dma_start3A_431 = arith.constant 0 : i32
    %dma_start3A_432 = tpu.memref_slice %dma_start3A_429[%dma_start3A_430, %dma_start3A_431] : memref<100000x16xf32, #tpu.memory_space<hbm>> -> memref<100000x16xf32, #tpu.memory_space<hbm>>
    tpu.enqueue_indirect_dma source(%dma_start3A_432 : memref<100000x16xf32, #tpu.memory_space<hbm>>) target(%arg8 : memref<512x16xf32, #tpu.memory_space<vmem>>) offsets(%dma_start3A_425 : memref<512xi32, #tpu.memory_space<vmem>>) semaphore(%arg16 : memref<!tpu.dma_semaphore, #tpu.memory_space<semaphore_mem>>)
    %dma_wait3A_433 = arith.constant 11 : i32
    %dma_wait3A_434 = arith.constant 11 : i32
    %dma_wait3A_435 = arith.constant 0 : i32
    %dma_wait3A_436 = tpu.memref_slice %arg6[%dma_wait3A_434, %dma_wait3A_435] : memref<26x512xi32, #tpu.memory_space<vmem>> -> memref<1x512xi32, #tpu.memory_space<vmem>>
    %dma_wait3A_437 = tpu.memref_squeeze %dma_wait3A_436 : memref<1x512xi32, #tpu.memory_space<vmem>> -> memref<512xi32, #tpu.memory_space<vmem>>
    %dma_wait3A_438 = arith.constant 0 : i32
    %dma_wait3A_439 = arith.constant 0 : i32
    %dma_wait3A_440 = tpu.memref_slice %arg3[%dma_wait3A_433, %dma_wait3A_438, %dma_wait3A_439] : memref<13x100000x16xf32, #tpu.memory_space<hbm>> -> memref<1x100000x16xf32, #tpu.memory_space<hbm>>
    %dma_wait3A_441 = tpu.memref_squeeze %dma_wait3A_440 : memref<1x100000x16xf32, #tpu.memory_space<hbm>> -> memref<100000x16xf32, #tpu.memory_space<hbm>>
    %dma_wait3A_442 = arith.constant 0 : i32
    %dma_wait3A_443 = arith.constant 0 : i32
    %dma_wait3A_444 = tpu.memref_slice %dma_wait3A_441[%dma_wait3A_442, %dma_wait3A_443] : memref<100000x16xf32, #tpu.memory_space<hbm>> -> memref<100000x16xf32, #tpu.memory_space<hbm>>
    tpu.wait_indirect_dma semaphore(%arg18 : memref<!tpu.dma_semaphore, #tpu.memory_space<semaphore_mem>>) src(%dma_wait3A_444 : memref<100000x16xf32, #tpu.memory_space<hbm>>) dst(%arg10 : memref<512x16xf32, #tpu.memory_space<vmem>>)
    %dma_start3A_445 = arith.constant 176 : i32
    %dma_start3A_446 = tpu.memref_slice %arg5[%mul3A_2, %dma_start3A_445] : memref<16384x416xf32, #tpu.memory_space<hbm>> -> memref<512x16xf32, #tpu.memory_space<hbm>>
    %dma_start3A_447 = arith.constant 176 : i32
    %dma_start3A_448 = tpu.memref_slice %arg5[%mul3A_2, %dma_start3A_447] : memref<16384x416xf32, #tpu.memory_space<hbm>> -> memref<512x16xf32, #tpu.memory_space<hbm>>
    tpu.enqueue_dma source(%arg10 : memref<512x16xf32, #tpu.memory_space<vmem>>) target(%dma_start3A_448 : memref<512x16xf32, #tpu.memory_space<hbm>>) target_semaphore(%arg26 : memref<!tpu.dma_semaphore, #tpu.memory_space<semaphore_mem>>)
    %dma_wait3A_449 = arith.constant 160 : i32
    %dma_wait3A_450 = tpu.memref_slice %arg5[%mul3A_2, %dma_wait3A_449] : memref<16384x416xf32, #tpu.memory_space<hbm>> -> memref<512x16xf32, #tpu.memory_space<hbm>>
    %dma_wait3A_451 = arith.constant 160 : i32
    %dma_wait3A_452 = tpu.memref_slice %arg5[%mul3A_2, %dma_wait3A_451] : memref<16384x416xf32, #tpu.memory_space<hbm>> -> memref<512x16xf32, #tpu.memory_space<hbm>>
    tpu.wait_dma2 semaphore(%arg25 : memref<!tpu.dma_semaphore, #tpu.memory_space<semaphore_mem>>) src(%arg9 : memref<512x16xf32, #tpu.memory_space<vmem>>) dst(%dma_wait3A_452 : memref<512x16xf32, #tpu.memory_space<hbm>>)
    %dma_start3A_453 = arith.constant 5 : i32
    %dma_start3A_454 = arith.constant 18 : i32
    %dma_start3A_455 = arith.constant 0 : i32
    %dma_start3A_456 = tpu.memref_slice %arg6[%dma_start3A_454, %dma_start3A_455] : memref<26x512xi32, #tpu.memory_space<vmem>> -> memref<1x512xi32, #tpu.memory_space<vmem>>
    %dma_start3A_457 = tpu.memref_squeeze %dma_start3A_456 : memref<1x512xi32, #tpu.memory_space<vmem>> -> memref<512xi32, #tpu.memory_space<vmem>>
    %dma_start3A_458 = arith.constant 0 : i32
    %dma_start3A_459 = arith.constant 0 : i32
    %dma_start3A_460 = tpu.memref_slice %arg4[%dma_start3A_453, %dma_start3A_458, %dma_start3A_459] : memref<13x100000x16xf32, #tpu.memory_space<hbm>> -> memref<1x100000x16xf32, #tpu.memory_space<hbm>>
    %dma_start3A_461 = tpu.memref_squeeze %dma_start3A_460 : memref<1x100000x16xf32, #tpu.memory_space<hbm>> -> memref<100000x16xf32, #tpu.memory_space<hbm>>
    %dma_start3A_462 = arith.constant 0 : i32
    %dma_start3A_463 = arith.constant 0 : i32
    %dma_start3A_464 = tpu.memref_slice %dma_start3A_461[%dma_start3A_462, %dma_start3A_463] : memref<100000x16xf32, #tpu.memory_space<hbm>> -> memref<100000x16xf32, #tpu.memory_space<hbm>>
    tpu.enqueue_indirect_dma source(%dma_start3A_464 : memref<100000x16xf32, #tpu.memory_space<hbm>>) target(%arg9 : memref<512x16xf32, #tpu.memory_space<vmem>>) offsets(%dma_start3A_457 : memref<512xi32, #tpu.memory_space<vmem>>) semaphore(%arg17 : memref<!tpu.dma_semaphore, #tpu.memory_space<semaphore_mem>>)
    %dma_wait3A_465 = arith.constant 12 : i32
    %dma_wait3A_466 = arith.constant 12 : i32
    %dma_wait3A_467 = arith.constant 0 : i32
    %dma_wait3A_468 = tpu.memref_slice %arg6[%dma_wait3A_466, %dma_wait3A_467] : memref<26x512xi32, #tpu.memory_space<vmem>> -> memref<1x512xi32, #tpu.memory_space<vmem>>
    %dma_wait3A_469 = tpu.memref_squeeze %dma_wait3A_468 : memref<1x512xi32, #tpu.memory_space<vmem>> -> memref<512xi32, #tpu.memory_space<vmem>>
    %dma_wait3A_470 = arith.constant 0 : i32
    %dma_wait3A_471 = arith.constant 0 : i32
    %dma_wait3A_472 = tpu.memref_slice %arg3[%dma_wait3A_465, %dma_wait3A_470, %dma_wait3A_471] : memref<13x100000x16xf32, #tpu.memory_space<hbm>> -> memref<1x100000x16xf32, #tpu.memory_space<hbm>>
    %dma_wait3A_473 = tpu.memref_squeeze %dma_wait3A_472 : memref<1x100000x16xf32, #tpu.memory_space<hbm>> -> memref<100000x16xf32, #tpu.memory_space<hbm>>
    %dma_wait3A_474 = arith.constant 0 : i32
    %dma_wait3A_475 = arith.constant 0 : i32
    %dma_wait3A_476 = tpu.memref_slice %dma_wait3A_473[%dma_wait3A_474, %dma_wait3A_475] : memref<100000x16xf32, #tpu.memory_space<hbm>> -> memref<100000x16xf32, #tpu.memory_space<hbm>>
    tpu.wait_indirect_dma semaphore(%arg19 : memref<!tpu.dma_semaphore, #tpu.memory_space<semaphore_mem>>) src(%dma_wait3A_476 : memref<100000x16xf32, #tpu.memory_space<hbm>>) dst(%arg11 : memref<512x16xf32, #tpu.memory_space<vmem>>)
    %dma_start3A_477 = arith.constant 192 : i32
    %dma_start3A_478 = tpu.memref_slice %arg5[%mul3A_2, %dma_start3A_477] : memref<16384x416xf32, #tpu.memory_space<hbm>> -> memref<512x16xf32, #tpu.memory_space<hbm>>
    %dma_start3A_479 = arith.constant 192 : i32
    %dma_start3A_480 = tpu.memref_slice %arg5[%mul3A_2, %dma_start3A_479] : memref<16384x416xf32, #tpu.memory_space<hbm>> -> memref<512x16xf32, #tpu.memory_space<hbm>>
    tpu.enqueue_dma source(%arg11 : memref<512x16xf32, #tpu.memory_space<vmem>>) target(%dma_start3A_480 : memref<512x16xf32, #tpu.memory_space<hbm>>) target_semaphore(%arg27 : memref<!tpu.dma_semaphore, #tpu.memory_space<semaphore_mem>>)
    %dma_wait3A_481 = arith.constant 176 : i32
    %dma_wait3A_482 = tpu.memref_slice %arg5[%mul3A_2, %dma_wait3A_481] : memref<16384x416xf32, #tpu.memory_space<hbm>> -> memref<512x16xf32, #tpu.memory_space<hbm>>
    %dma_wait3A_483 = arith.constant 176 : i32
    %dma_wait3A_484 = tpu.memref_slice %arg5[%mul3A_2, %dma_wait3A_483] : memref<16384x416xf32, #tpu.memory_space<hbm>> -> memref<512x16xf32, #tpu.memory_space<hbm>>
    tpu.wait_dma2 semaphore(%arg26 : memref<!tpu.dma_semaphore, #tpu.memory_space<semaphore_mem>>) src(%arg10 : memref<512x16xf32, #tpu.memory_space<vmem>>) dst(%dma_wait3A_484 : memref<512x16xf32, #tpu.memory_space<hbm>>)
    %dma_start3A_485 = arith.constant 6 : i32
    %dma_start3A_486 = arith.constant 19 : i32
    %dma_start3A_487 = arith.constant 0 : i32
    %dma_start3A_488 = tpu.memref_slice %arg6[%dma_start3A_486, %dma_start3A_487] : memref<26x512xi32, #tpu.memory_space<vmem>> -> memref<1x512xi32, #tpu.memory_space<vmem>>
    %dma_start3A_489 = tpu.memref_squeeze %dma_start3A_488 : memref<1x512xi32, #tpu.memory_space<vmem>> -> memref<512xi32, #tpu.memory_space<vmem>>
    %dma_start3A_490 = arith.constant 0 : i32
    %dma_start3A_491 = arith.constant 0 : i32
    %dma_start3A_492 = tpu.memref_slice %arg4[%dma_start3A_485, %dma_start3A_490, %dma_start3A_491] : memref<13x100000x16xf32, #tpu.memory_space<hbm>> -> memref<1x100000x16xf32, #tpu.memory_space<hbm>>
    %dma_start3A_493 = tpu.memref_squeeze %dma_start3A_492 : memref<1x100000x16xf32, #tpu.memory_space<hbm>> -> memref<100000x16xf32, #tpu.memory_space<hbm>>
    %dma_start3A_494 = arith.constant 0 : i32
    %dma_start3A_495 = arith.constant 0 : i32
    %dma_start3A_496 = tpu.memref_slice %dma_start3A_493[%dma_start3A_494, %dma_start3A_495] : memref<100000x16xf32, #tpu.memory_space<hbm>> -> memref<100000x16xf32, #tpu.memory_space<hbm>>
    tpu.enqueue_indirect_dma source(%dma_start3A_496 : memref<100000x16xf32, #tpu.memory_space<hbm>>) target(%arg10 : memref<512x16xf32, #tpu.memory_space<vmem>>) offsets(%dma_start3A_489 : memref<512xi32, #tpu.memory_space<vmem>>) semaphore(%arg18 : memref<!tpu.dma_semaphore, #tpu.memory_space<semaphore_mem>>)
    %dma_wait3A_497 = arith.constant 0 : i32
    %dma_wait3A_498 = arith.constant 13 : i32
    %dma_wait3A_499 = arith.constant 0 : i32
    %dma_wait3A_500 = tpu.memref_slice %arg6[%dma_wait3A_498, %dma_wait3A_499] : memref<26x512xi32, #tpu.memory_space<vmem>> -> memref<1x512xi32, #tpu.memory_space<vmem>>
    %dma_wait3A_501 = tpu.memref_squeeze %dma_wait3A_500 : memref<1x512xi32, #tpu.memory_space<vmem>> -> memref<512xi32, #tpu.memory_space<vmem>>
    %dma_wait3A_502 = arith.constant 0 : i32
    %dma_wait3A_503 = arith.constant 0 : i32
    %dma_wait3A_504 = tpu.memref_slice %arg4[%dma_wait3A_497, %dma_wait3A_502, %dma_wait3A_503] : memref<13x100000x16xf32, #tpu.memory_space<hbm>> -> memref<1x100000x16xf32, #tpu.memory_space<hbm>>
    %dma_wait3A_505 = tpu.memref_squeeze %dma_wait3A_504 : memref<1x100000x16xf32, #tpu.memory_space<hbm>> -> memref<100000x16xf32, #tpu.memory_space<hbm>>
    %dma_wait3A_506 = arith.constant 0 : i32
    %dma_wait3A_507 = arith.constant 0 : i32
    %dma_wait3A_508 = tpu.memref_slice %dma_wait3A_505[%dma_wait3A_506, %dma_wait3A_507] : memref<100000x16xf32, #tpu.memory_space<hbm>> -> memref<100000x16xf32, #tpu.memory_space<hbm>>
    tpu.wait_indirect_dma semaphore(%arg20 : memref<!tpu.dma_semaphore, #tpu.memory_space<semaphore_mem>>) src(%dma_wait3A_508 : memref<100000x16xf32, #tpu.memory_space<hbm>>) dst(%arg12 : memref<512x16xf32, #tpu.memory_space<vmem>>)
    %dma_start3A_509 = arith.constant 208 : i32
    %dma_start3A_510 = tpu.memref_slice %arg5[%mul3A_2, %dma_start3A_509] : memref<16384x416xf32, #tpu.memory_space<hbm>> -> memref<512x16xf32, #tpu.memory_space<hbm>>
    %dma_start3A_511 = arith.constant 208 : i32
    %dma_start3A_512 = tpu.memref_slice %arg5[%mul3A_2, %dma_start3A_511] : memref<16384x416xf32, #tpu.memory_space<hbm>> -> memref<512x16xf32, #tpu.memory_space<hbm>>
    tpu.enqueue_dma source(%arg12 : memref<512x16xf32, #tpu.memory_space<vmem>>) target(%dma_start3A_512 : memref<512x16xf32, #tpu.memory_space<hbm>>) target_semaphore(%arg28 : memref<!tpu.dma_semaphore, #tpu.memory_space<semaphore_mem>>)
    %dma_wait3A_513 = arith.constant 192 : i32
    %dma_wait3A_514 = tpu.memref_slice %arg5[%mul3A_2, %dma_wait3A_513] : memref<16384x416xf32, #tpu.memory_space<hbm>> -> memref<512x16xf32, #tpu.memory_space<hbm>>
    %dma_wait3A_515 = arith.constant 192 : i32
    %dma_wait3A_516 = tpu.memref_slice %arg5[%mul3A_2, %dma_wait3A_515] : memref<16384x416xf32, #tpu.memory_space<hbm>> -> memref<512x16xf32, #tpu.memory_space<hbm>>
    tpu.wait_dma2 semaphore(%arg27 : memref<!tpu.dma_semaphore, #tpu.memory_space<semaphore_mem>>) src(%arg11 : memref<512x16xf32, #tpu.memory_space<vmem>>) dst(%dma_wait3A_516 : memref<512x16xf32, #tpu.memory_space<hbm>>)
    %dma_start3A_517 = arith.constant 7 : i32
    %dma_start3A_518 = arith.constant 20 : i32
    %dma_start3A_519 = arith.constant 0 : i32
    %dma_start3A_520 = tpu.memref_slice %arg6[%dma_start3A_518, %dma_start3A_519] : memref<26x512xi32, #tpu.memory_space<vmem>> -> memref<1x512xi32, #tpu.memory_space<vmem>>
    %dma_start3A_521 = tpu.memref_squeeze %dma_start3A_520 : memref<1x512xi32, #tpu.memory_space<vmem>> -> memref<512xi32, #tpu.memory_space<vmem>>
    %dma_start3A_522 = arith.constant 0 : i32
    %dma_start3A_523 = arith.constant 0 : i32
    %dma_start3A_524 = tpu.memref_slice %arg4[%dma_start3A_517, %dma_start3A_522, %dma_start3A_523] : memref<13x100000x16xf32, #tpu.memory_space<hbm>> -> memref<1x100000x16xf32, #tpu.memory_space<hbm>>
    %dma_start3A_525 = tpu.memref_squeeze %dma_start3A_524 : memref<1x100000x16xf32, #tpu.memory_space<hbm>> -> memref<100000x16xf32, #tpu.memory_space<hbm>>
    %dma_start3A_526 = arith.constant 0 : i32
    %dma_start3A_527 = arith.constant 0 : i32
    %dma_start3A_528 = tpu.memref_slice %dma_start3A_525[%dma_start3A_526, %dma_start3A_527] : memref<100000x16xf32, #tpu.memory_space<hbm>> -> memref<100000x16xf32, #tpu.memory_space<hbm>>
    tpu.enqueue_indirect_dma source(%dma_start3A_528 : memref<100000x16xf32, #tpu.memory_space<hbm>>) target(%arg11 : memref<512x16xf32, #tpu.memory_space<vmem>>) offsets(%dma_start3A_521 : memref<512xi32, #tpu.memory_space<vmem>>) semaphore(%arg19 : memref<!tpu.dma_semaphore, #tpu.memory_space<semaphore_mem>>)
    %dma_wait3A_529 = arith.constant 1 : i32
    %dma_wait3A_530 = arith.constant 14 : i32
    %dma_wait3A_531 = arith.constant 0 : i32
    %dma_wait3A_532 = tpu.memref_slice %arg6[%dma_wait3A_530, %dma_wait3A_531] : memref<26x512xi32, #tpu.memory_space<vmem>> -> memref<1x512xi32, #tpu.memory_space<vmem>>
    %dma_wait3A_533 = tpu.memref_squeeze %dma_wait3A_532 : memref<1x512xi32, #tpu.memory_space<vmem>> -> memref<512xi32, #tpu.memory_space<vmem>>
    %dma_wait3A_534 = arith.constant 0 : i32
    %dma_wait3A_535 = arith.constant 0 : i32
    %dma_wait3A_536 = tpu.memref_slice %arg4[%dma_wait3A_529, %dma_wait3A_534, %dma_wait3A_535] : memref<13x100000x16xf32, #tpu.memory_space<hbm>> -> memref<1x100000x16xf32, #tpu.memory_space<hbm>>
    %dma_wait3A_537 = tpu.memref_squeeze %dma_wait3A_536 : memref<1x100000x16xf32, #tpu.memory_space<hbm>> -> memref<100000x16xf32, #tpu.memory_space<hbm>>
    %dma_wait3A_538 = arith.constant 0 : i32
    %dma_wait3A_539 = arith.constant 0 : i32
    %dma_wait3A_540 = tpu.memref_slice %dma_wait3A_537[%dma_wait3A_538, %dma_wait3A_539] : memref<100000x16xf32, #tpu.memory_space<hbm>> -> memref<100000x16xf32, #tpu.memory_space<hbm>>
    tpu.wait_indirect_dma semaphore(%arg21 : memref<!tpu.dma_semaphore, #tpu.memory_space<semaphore_mem>>) src(%dma_wait3A_540 : memref<100000x16xf32, #tpu.memory_space<hbm>>) dst(%arg13 : memref<512x16xf32, #tpu.memory_space<vmem>>)
    %dma_start3A_541 = arith.constant 224 : i32
    %dma_start3A_542 = tpu.memref_slice %arg5[%mul3A_2, %dma_start3A_541] : memref<16384x416xf32, #tpu.memory_space<hbm>> -> memref<512x16xf32, #tpu.memory_space<hbm>>
    %dma_start3A_543 = arith.constant 224 : i32
    %dma_start3A_544 = tpu.memref_slice %arg5[%mul3A_2, %dma_start3A_543] : memref<16384x416xf32, #tpu.memory_space<hbm>> -> memref<512x16xf32, #tpu.memory_space<hbm>>
    tpu.enqueue_dma source(%arg13 : memref<512x16xf32, #tpu.memory_space<vmem>>) target(%dma_start3A_544 : memref<512x16xf32, #tpu.memory_space<hbm>>) target_semaphore(%arg29 : memref<!tpu.dma_semaphore, #tpu.memory_space<semaphore_mem>>)
    %dma_wait3A_545 = arith.constant 208 : i32
    %dma_wait3A_546 = tpu.memref_slice %arg5[%mul3A_2, %dma_wait3A_545] : memref<16384x416xf32, #tpu.memory_space<hbm>> -> memref<512x16xf32, #tpu.memory_space<hbm>>
    %dma_wait3A_547 = arith.constant 208 : i32
    %dma_wait3A_548 = tpu.memref_slice %arg5[%mul3A_2, %dma_wait3A_547] : memref<16384x416xf32, #tpu.memory_space<hbm>> -> memref<512x16xf32, #tpu.memory_space<hbm>>
    tpu.wait_dma2 semaphore(%arg28 : memref<!tpu.dma_semaphore, #tpu.memory_space<semaphore_mem>>) src(%arg12 : memref<512x16xf32, #tpu.memory_space<vmem>>) dst(%dma_wait3A_548 : memref<512x16xf32, #tpu.memory_space<hbm>>)
    %dma_start3A_549 = arith.constant 8 : i32
    %dma_start3A_550 = arith.constant 21 : i32
    %dma_start3A_551 = arith.constant 0 : i32
    %dma_start3A_552 = tpu.memref_slice %arg6[%dma_start3A_550, %dma_start3A_551] : memref<26x512xi32, #tpu.memory_space<vmem>> -> memref<1x512xi32, #tpu.memory_space<vmem>>
    %dma_start3A_553 = tpu.memref_squeeze %dma_start3A_552 : memref<1x512xi32, #tpu.memory_space<vmem>> -> memref<512xi32, #tpu.memory_space<vmem>>
    %dma_start3A_554 = arith.constant 0 : i32
    %dma_start3A_555 = arith.constant 0 : i32
    %dma_start3A_556 = tpu.memref_slice %arg4[%dma_start3A_549, %dma_start3A_554, %dma_start3A_555] : memref<13x100000x16xf32, #tpu.memory_space<hbm>> -> memref<1x100000x16xf32, #tpu.memory_space<hbm>>
    %dma_start3A_557 = tpu.memref_squeeze %dma_start3A_556 : memref<1x100000x16xf32, #tpu.memory_space<hbm>> -> memref<100000x16xf32, #tpu.memory_space<hbm>>
    %dma_start3A_558 = arith.constant 0 : i32
    %dma_start3A_559 = arith.constant 0 : i32
    %dma_start3A_560 = tpu.memref_slice %dma_start3A_557[%dma_start3A_558, %dma_start3A_559] : memref<100000x16xf32, #tpu.memory_space<hbm>> -> memref<100000x16xf32, #tpu.memory_space<hbm>>
    tpu.enqueue_indirect_dma source(%dma_start3A_560 : memref<100000x16xf32, #tpu.memory_space<hbm>>) target(%arg12 : memref<512x16xf32, #tpu.memory_space<vmem>>) offsets(%dma_start3A_553 : memref<512xi32, #tpu.memory_space<vmem>>) semaphore(%arg20 : memref<!tpu.dma_semaphore, #tpu.memory_space<semaphore_mem>>)
    %dma_wait3A_561 = arith.constant 2 : i32
    %dma_wait3A_562 = arith.constant 15 : i32
    %dma_wait3A_563 = arith.constant 0 : i32
    %dma_wait3A_564 = tpu.memref_slice %arg6[%dma_wait3A_562, %dma_wait3A_563] : memref<26x512xi32, #tpu.memory_space<vmem>> -> memref<1x512xi32, #tpu.memory_space<vmem>>
    %dma_wait3A_565 = tpu.memref_squeeze %dma_wait3A_564 : memref<1x512xi32, #tpu.memory_space<vmem>> -> memref<512xi32, #tpu.memory_space<vmem>>
    %dma_wait3A_566 = arith.constant 0 : i32
    %dma_wait3A_567 = arith.constant 0 : i32
    %dma_wait3A_568 = tpu.memref_slice %arg4[%dma_wait3A_561, %dma_wait3A_566, %dma_wait3A_567] : memref<13x100000x16xf32, #tpu.memory_space<hbm>> -> memref<1x100000x16xf32, #tpu.memory_space<hbm>>
    %dma_wait3A_569 = tpu.memref_squeeze %dma_wait3A_568 : memref<1x100000x16xf32, #tpu.memory_space<hbm>> -> memref<100000x16xf32, #tpu.memory_space<hbm>>
    %dma_wait3A_570 = arith.constant 0 : i32
    %dma_wait3A_571 = arith.constant 0 : i32
    %dma_wait3A_572 = tpu.memref_slice %dma_wait3A_569[%dma_wait3A_570, %dma_wait3A_571] : memref<100000x16xf32, #tpu.memory_space<hbm>> -> memref<100000x16xf32, #tpu.memory_space<hbm>>
    tpu.wait_indirect_dma semaphore(%arg22 : memref<!tpu.dma_semaphore, #tpu.memory_space<semaphore_mem>>) src(%dma_wait3A_572 : memref<100000x16xf32, #tpu.memory_space<hbm>>) dst(%arg14 : memref<512x16xf32, #tpu.memory_space<vmem>>)
    %dma_start3A_573 = arith.constant 240 : i32
    %dma_start3A_574 = tpu.memref_slice %arg5[%mul3A_2, %dma_start3A_573] : memref<16384x416xf32, #tpu.memory_space<hbm>> -> memref<512x16xf32, #tpu.memory_space<hbm>>
    %dma_start3A_575 = arith.constant 240 : i32
    %dma_start3A_576 = tpu.memref_slice %arg5[%mul3A_2, %dma_start3A_575] : memref<16384x416xf32, #tpu.memory_space<hbm>> -> memref<512x16xf32, #tpu.memory_space<hbm>>
    tpu.enqueue_dma source(%arg14 : memref<512x16xf32, #tpu.memory_space<vmem>>) target(%dma_start3A_576 : memref<512x16xf32, #tpu.memory_space<hbm>>) target_semaphore(%arg30 : memref<!tpu.dma_semaphore, #tpu.memory_space<semaphore_mem>>)
    %dma_wait3A_577 = arith.constant 224 : i32
    %dma_wait3A_578 = tpu.memref_slice %arg5[%mul3A_2, %dma_wait3A_577] : memref<16384x416xf32, #tpu.memory_space<hbm>> -> memref<512x16xf32, #tpu.memory_space<hbm>>
    %dma_wait3A_579 = arith.constant 224 : i32
    %dma_wait3A_580 = tpu.memref_slice %arg5[%mul3A_2, %dma_wait3A_579] : memref<16384x416xf32, #tpu.memory_space<hbm>> -> memref<512x16xf32, #tpu.memory_space<hbm>>
    tpu.wait_dma2 semaphore(%arg29 : memref<!tpu.dma_semaphore, #tpu.memory_space<semaphore_mem>>) src(%arg13 : memref<512x16xf32, #tpu.memory_space<vmem>>) dst(%dma_wait3A_580 : memref<512x16xf32, #tpu.memory_space<hbm>>)
    %dma_start3A_581 = arith.constant 9 : i32
    %dma_start3A_582 = arith.constant 22 : i32
    %dma_start3A_583 = arith.constant 0 : i32
    %dma_start3A_584 = tpu.memref_slice %arg6[%dma_start3A_582, %dma_start3A_583] : memref<26x512xi32, #tpu.memory_space<vmem>> -> memref<1x512xi32, #tpu.memory_space<vmem>>
    %dma_start3A_585 = tpu.memref_squeeze %dma_start3A_584 : memref<1x512xi32, #tpu.memory_space<vmem>> -> memref<512xi32, #tpu.memory_space<vmem>>
    %dma_start3A_586 = arith.constant 0 : i32
    %dma_start3A_587 = arith.constant 0 : i32
    %dma_start3A_588 = tpu.memref_slice %arg4[%dma_start3A_581, %dma_start3A_586, %dma_start3A_587] : memref<13x100000x16xf32, #tpu.memory_space<hbm>> -> memref<1x100000x16xf32, #tpu.memory_space<hbm>>
    %dma_start3A_589 = tpu.memref_squeeze %dma_start3A_588 : memref<1x100000x16xf32, #tpu.memory_space<hbm>> -> memref<100000x16xf32, #tpu.memory_space<hbm>>
    %dma_start3A_590 = arith.constant 0 : i32
    %dma_start3A_591 = arith.constant 0 : i32
    %dma_start3A_592 = tpu.memref_slice %dma_start3A_589[%dma_start3A_590, %dma_start3A_591] : memref<100000x16xf32, #tpu.memory_space<hbm>> -> memref<100000x16xf32, #tpu.memory_space<hbm>>
    tpu.enqueue_indirect_dma source(%dma_start3A_592 : memref<100000x16xf32, #tpu.memory_space<hbm>>) target(%arg13 : memref<512x16xf32, #tpu.memory_space<vmem>>) offsets(%dma_start3A_585 : memref<512xi32, #tpu.memory_space<vmem>>) semaphore(%arg21 : memref<!tpu.dma_semaphore, #tpu.memory_space<semaphore_mem>>)
    %dma_wait3A_593 = arith.constant 3 : i32
    %dma_wait3A_594 = arith.constant 16 : i32
    %dma_wait3A_595 = arith.constant 0 : i32
    %dma_wait3A_596 = tpu.memref_slice %arg6[%dma_wait3A_594, %dma_wait3A_595] : memref<26x512xi32, #tpu.memory_space<vmem>> -> memref<1x512xi32, #tpu.memory_space<vmem>>
    %dma_wait3A_597 = tpu.memref_squeeze %dma_wait3A_596 : memref<1x512xi32, #tpu.memory_space<vmem>> -> memref<512xi32, #tpu.memory_space<vmem>>
    %dma_wait3A_598 = arith.constant 0 : i32
    %dma_wait3A_599 = arith.constant 0 : i32
    %dma_wait3A_600 = tpu.memref_slice %arg4[%dma_wait3A_593, %dma_wait3A_598, %dma_wait3A_599] : memref<13x100000x16xf32, #tpu.memory_space<hbm>> -> memref<1x100000x16xf32, #tpu.memory_space<hbm>>
    %dma_wait3A_601 = tpu.memref_squeeze %dma_wait3A_600 : memref<1x100000x16xf32, #tpu.memory_space<hbm>> -> memref<100000x16xf32, #tpu.memory_space<hbm>>
    %dma_wait3A_602 = arith.constant 0 : i32
    %dma_wait3A_603 = arith.constant 0 : i32
    %dma_wait3A_604 = tpu.memref_slice %dma_wait3A_601[%dma_wait3A_602, %dma_wait3A_603] : memref<100000x16xf32, #tpu.memory_space<hbm>> -> memref<100000x16xf32, #tpu.memory_space<hbm>>
    tpu.wait_indirect_dma semaphore(%arg15 : memref<!tpu.dma_semaphore, #tpu.memory_space<semaphore_mem>>) src(%dma_wait3A_604 : memref<100000x16xf32, #tpu.memory_space<hbm>>) dst(%arg7 : memref<512x16xf32, #tpu.memory_space<vmem>>)
    %dma_start3A_605 = arith.constant 256 : i32
    %dma_start3A_606 = tpu.memref_slice %arg5[%mul3A_2, %dma_start3A_605] : memref<16384x416xf32, #tpu.memory_space<hbm>> -> memref<512x16xf32, #tpu.memory_space<hbm>>
    %dma_start3A_607 = arith.constant 256 : i32
    %dma_start3A_608 = tpu.memref_slice %arg5[%mul3A_2, %dma_start3A_607] : memref<16384x416xf32, #tpu.memory_space<hbm>> -> memref<512x16xf32, #tpu.memory_space<hbm>>
    tpu.enqueue_dma source(%arg7 : memref<512x16xf32, #tpu.memory_space<vmem>>) target(%dma_start3A_608 : memref<512x16xf32, #tpu.memory_space<hbm>>) target_semaphore(%arg23 : memref<!tpu.dma_semaphore, #tpu.memory_space<semaphore_mem>>)
    %dma_wait3A_609 = arith.constant 240 : i32
    %dma_wait3A_610 = tpu.memref_slice %arg5[%mul3A_2, %dma_wait3A_609] : memref<16384x416xf32, #tpu.memory_space<hbm>> -> memref<512x16xf32, #tpu.memory_space<hbm>>
    %dma_wait3A_611 = arith.constant 240 : i32
    %dma_wait3A_612 = tpu.memref_slice %arg5[%mul3A_2, %dma_wait3A_611] : memref<16384x416xf32, #tpu.memory_space<hbm>> -> memref<512x16xf32, #tpu.memory_space<hbm>>
    tpu.wait_dma2 semaphore(%arg30 : memref<!tpu.dma_semaphore, #tpu.memory_space<semaphore_mem>>) src(%arg14 : memref<512x16xf32, #tpu.memory_space<vmem>>) dst(%dma_wait3A_612 : memref<512x16xf32, #tpu.memory_space<hbm>>)
    %dma_start3A_613 = arith.constant 10 : i32
    %dma_start3A_614 = arith.constant 23 : i32
    %dma_start3A_615 = arith.constant 0 : i32
    %dma_start3A_616 = tpu.memref_slice %arg6[%dma_start3A_614, %dma_start3A_615] : memref<26x512xi32, #tpu.memory_space<vmem>> -> memref<1x512xi32, #tpu.memory_space<vmem>>
    %dma_start3A_617 = tpu.memref_squeeze %dma_start3A_616 : memref<1x512xi32, #tpu.memory_space<vmem>> -> memref<512xi32, #tpu.memory_space<vmem>>
    %dma_start3A_618 = arith.constant 0 : i32
    %dma_start3A_619 = arith.constant 0 : i32
    %dma_start3A_620 = tpu.memref_slice %arg4[%dma_start3A_613, %dma_start3A_618, %dma_start3A_619] : memref<13x100000x16xf32, #tpu.memory_space<hbm>> -> memref<1x100000x16xf32, #tpu.memory_space<hbm>>
    %dma_start3A_621 = tpu.memref_squeeze %dma_start3A_620 : memref<1x100000x16xf32, #tpu.memory_space<hbm>> -> memref<100000x16xf32, #tpu.memory_space<hbm>>
    %dma_start3A_622 = arith.constant 0 : i32
    %dma_start3A_623 = arith.constant 0 : i32
    %dma_start3A_624 = tpu.memref_slice %dma_start3A_621[%dma_start3A_622, %dma_start3A_623] : memref<100000x16xf32, #tpu.memory_space<hbm>> -> memref<100000x16xf32, #tpu.memory_space<hbm>>
    tpu.enqueue_indirect_dma source(%dma_start3A_624 : memref<100000x16xf32, #tpu.memory_space<hbm>>) target(%arg14 : memref<512x16xf32, #tpu.memory_space<vmem>>) offsets(%dma_start3A_617 : memref<512xi32, #tpu.memory_space<vmem>>) semaphore(%arg22 : memref<!tpu.dma_semaphore, #tpu.memory_space<semaphore_mem>>)
    %dma_wait3A_625 = arith.constant 4 : i32
    %dma_wait3A_626 = arith.constant 17 : i32
    %dma_wait3A_627 = arith.constant 0 : i32
    %dma_wait3A_628 = tpu.memref_slice %arg6[%dma_wait3A_626, %dma_wait3A_627] : memref<26x512xi32, #tpu.memory_space<vmem>> -> memref<1x512xi32, #tpu.memory_space<vmem>>
    %dma_wait3A_629 = tpu.memref_squeeze %dma_wait3A_628 : memref<1x512xi32, #tpu.memory_space<vmem>> -> memref<512xi32, #tpu.memory_space<vmem>>
    %dma_wait3A_630 = arith.constant 0 : i32
    %dma_wait3A_631 = arith.constant 0 : i32
    %dma_wait3A_632 = tpu.memref_slice %arg4[%dma_wait3A_625, %dma_wait3A_630, %dma_wait3A_631] : memref<13x100000x16xf32, #tpu.memory_space<hbm>> -> memref<1x100000x16xf32, #tpu.memory_space<hbm>>
    %dma_wait3A_633 = tpu.memref_squeeze %dma_wait3A_632 : memref<1x100000x16xf32, #tpu.memory_space<hbm>> -> memref<100000x16xf32, #tpu.memory_space<hbm>>
    %dma_wait3A_634 = arith.constant 0 : i32
    %dma_wait3A_635 = arith.constant 0 : i32
    %dma_wait3A_636 = tpu.memref_slice %dma_wait3A_633[%dma_wait3A_634, %dma_wait3A_635] : memref<100000x16xf32, #tpu.memory_space<hbm>> -> memref<100000x16xf32, #tpu.memory_space<hbm>>
    tpu.wait_indirect_dma semaphore(%arg16 : memref<!tpu.dma_semaphore, #tpu.memory_space<semaphore_mem>>) src(%dma_wait3A_636 : memref<100000x16xf32, #tpu.memory_space<hbm>>) dst(%arg8 : memref<512x16xf32, #tpu.memory_space<vmem>>)
    %dma_start3A_637 = arith.constant 272 : i32
    %dma_start3A_638 = tpu.memref_slice %arg5[%mul3A_2, %dma_start3A_637] : memref<16384x416xf32, #tpu.memory_space<hbm>> -> memref<512x16xf32, #tpu.memory_space<hbm>>
    %dma_start3A_639 = arith.constant 272 : i32
    %dma_start3A_640 = tpu.memref_slice %arg5[%mul3A_2, %dma_start3A_639] : memref<16384x416xf32, #tpu.memory_space<hbm>> -> memref<512x16xf32, #tpu.memory_space<hbm>>
    tpu.enqueue_dma source(%arg8 : memref<512x16xf32, #tpu.memory_space<vmem>>) target(%dma_start3A_640 : memref<512x16xf32, #tpu.memory_space<hbm>>) target_semaphore(%arg24 : memref<!tpu.dma_semaphore, #tpu.memory_space<semaphore_mem>>)
    %dma_wait3A_641 = arith.constant 256 : i32
    %dma_wait3A_642 = tpu.memref_slice %arg5[%mul3A_2, %dma_wait3A_641] : memref<16384x416xf32, #tpu.memory_space<hbm>> -> memref<512x16xf32, #tpu.memory_space<hbm>>
    %dma_wait3A_643 = arith.constant 256 : i32
    %dma_wait3A_644 = tpu.memref_slice %arg5[%mul3A_2, %dma_wait3A_643] : memref<16384x416xf32, #tpu.memory_space<hbm>> -> memref<512x16xf32, #tpu.memory_space<hbm>>
    tpu.wait_dma2 semaphore(%arg23 : memref<!tpu.dma_semaphore, #tpu.memory_space<semaphore_mem>>) src(%arg7 : memref<512x16xf32, #tpu.memory_space<vmem>>) dst(%dma_wait3A_644 : memref<512x16xf32, #tpu.memory_space<hbm>>)
    %dma_start3A_645 = arith.constant 11 : i32
    %dma_start3A_646 = arith.constant 24 : i32
    %dma_start3A_647 = arith.constant 0 : i32
    %dma_start3A_648 = tpu.memref_slice %arg6[%dma_start3A_646, %dma_start3A_647] : memref<26x512xi32, #tpu.memory_space<vmem>> -> memref<1x512xi32, #tpu.memory_space<vmem>>
    %dma_start3A_649 = tpu.memref_squeeze %dma_start3A_648 : memref<1x512xi32, #tpu.memory_space<vmem>> -> memref<512xi32, #tpu.memory_space<vmem>>
    %dma_start3A_650 = arith.constant 0 : i32
    %dma_start3A_651 = arith.constant 0 : i32
    %dma_start3A_652 = tpu.memref_slice %arg4[%dma_start3A_645, %dma_start3A_650, %dma_start3A_651] : memref<13x100000x16xf32, #tpu.memory_space<hbm>> -> memref<1x100000x16xf32, #tpu.memory_space<hbm>>
    %dma_start3A_653 = tpu.memref_squeeze %dma_start3A_652 : memref<1x100000x16xf32, #tpu.memory_space<hbm>> -> memref<100000x16xf32, #tpu.memory_space<hbm>>
    %dma_start3A_654 = arith.constant 0 : i32
    %dma_start3A_655 = arith.constant 0 : i32
    %dma_start3A_656 = tpu.memref_slice %dma_start3A_653[%dma_start3A_654, %dma_start3A_655] : memref<100000x16xf32, #tpu.memory_space<hbm>> -> memref<100000x16xf32, #tpu.memory_space<hbm>>
    tpu.enqueue_indirect_dma source(%dma_start3A_656 : memref<100000x16xf32, #tpu.memory_space<hbm>>) target(%arg7 : memref<512x16xf32, #tpu.memory_space<vmem>>) offsets(%dma_start3A_649 : memref<512xi32, #tpu.memory_space<vmem>>) semaphore(%arg15 : memref<!tpu.dma_semaphore, #tpu.memory_space<semaphore_mem>>)
    %dma_wait3A_657 = arith.constant 5 : i32
    %dma_wait3A_658 = arith.constant 18 : i32
    %dma_wait3A_659 = arith.constant 0 : i32
    %dma_wait3A_660 = tpu.memref_slice %arg6[%dma_wait3A_658, %dma_wait3A_659] : memref<26x512xi32, #tpu.memory_space<vmem>> -> memref<1x512xi32, #tpu.memory_space<vmem>>
    %dma_wait3A_661 = tpu.memref_squeeze %dma_wait3A_660 : memref<1x512xi32, #tpu.memory_space<vmem>> -> memref<512xi32, #tpu.memory_space<vmem>>
    %dma_wait3A_662 = arith.constant 0 : i32
    %dma_wait3A_663 = arith.constant 0 : i32
    %dma_wait3A_664 = tpu.memref_slice %arg4[%dma_wait3A_657, %dma_wait3A_662, %dma_wait3A_663] : memref<13x100000x16xf32, #tpu.memory_space<hbm>> -> memref<1x100000x16xf32, #tpu.memory_space<hbm>>
    %dma_wait3A_665 = tpu.memref_squeeze %dma_wait3A_664 : memref<1x100000x16xf32, #tpu.memory_space<hbm>> -> memref<100000x16xf32, #tpu.memory_space<hbm>>
    %dma_wait3A_666 = arith.constant 0 : i32
    %dma_wait3A_667 = arith.constant 0 : i32
    %dma_wait3A_668 = tpu.memref_slice %dma_wait3A_665[%dma_wait3A_666, %dma_wait3A_667] : memref<100000x16xf32, #tpu.memory_space<hbm>> -> memref<100000x16xf32, #tpu.memory_space<hbm>>
    tpu.wait_indirect_dma semaphore(%arg17 : memref<!tpu.dma_semaphore, #tpu.memory_space<semaphore_mem>>) src(%dma_wait3A_668 : memref<100000x16xf32, #tpu.memory_space<hbm>>) dst(%arg9 : memref<512x16xf32, #tpu.memory_space<vmem>>)
    %dma_start3A_669 = arith.constant 288 : i32
    %dma_start3A_670 = tpu.memref_slice %arg5[%mul3A_2, %dma_start3A_669] : memref<16384x416xf32, #tpu.memory_space<hbm>> -> memref<512x16xf32, #tpu.memory_space<hbm>>
    %dma_start3A_671 = arith.constant 288 : i32
    %dma_start3A_672 = tpu.memref_slice %arg5[%mul3A_2, %dma_start3A_671] : memref<16384x416xf32, #tpu.memory_space<hbm>> -> memref<512x16xf32, #tpu.memory_space<hbm>>
    tpu.enqueue_dma source(%arg9 : memref<512x16xf32, #tpu.memory_space<vmem>>) target(%dma_start3A_672 : memref<512x16xf32, #tpu.memory_space<hbm>>) target_semaphore(%arg25 : memref<!tpu.dma_semaphore, #tpu.memory_space<semaphore_mem>>)
    %dma_wait3A_673 = arith.constant 272 : i32
    %dma_wait3A_674 = tpu.memref_slice %arg5[%mul3A_2, %dma_wait3A_673] : memref<16384x416xf32, #tpu.memory_space<hbm>> -> memref<512x16xf32, #tpu.memory_space<hbm>>
    %dma_wait3A_675 = arith.constant 272 : i32
    %dma_wait3A_676 = tpu.memref_slice %arg5[%mul3A_2, %dma_wait3A_675] : memref<16384x416xf32, #tpu.memory_space<hbm>> -> memref<512x16xf32, #tpu.memory_space<hbm>>
    tpu.wait_dma2 semaphore(%arg24 : memref<!tpu.dma_semaphore, #tpu.memory_space<semaphore_mem>>) src(%arg8 : memref<512x16xf32, #tpu.memory_space<vmem>>) dst(%dma_wait3A_676 : memref<512x16xf32, #tpu.memory_space<hbm>>)
    %dma_start3A_677 = arith.constant 12 : i32
    %dma_start3A_678 = arith.constant 25 : i32
    %dma_start3A_679 = arith.constant 0 : i32
    %dma_start3A_680 = tpu.memref_slice %arg6[%dma_start3A_678, %dma_start3A_679] : memref<26x512xi32, #tpu.memory_space<vmem>> -> memref<1x512xi32, #tpu.memory_space<vmem>>
    %dma_start3A_681 = tpu.memref_squeeze %dma_start3A_680 : memref<1x512xi32, #tpu.memory_space<vmem>> -> memref<512xi32, #tpu.memory_space<vmem>>
    %dma_start3A_682 = arith.constant 0 : i32
    %dma_start3A_683 = arith.constant 0 : i32
    %dma_start3A_684 = tpu.memref_slice %arg4[%dma_start3A_677, %dma_start3A_682, %dma_start3A_683] : memref<13x100000x16xf32, #tpu.memory_space<hbm>> -> memref<1x100000x16xf32, #tpu.memory_space<hbm>>
    %dma_start3A_685 = tpu.memref_squeeze %dma_start3A_684 : memref<1x100000x16xf32, #tpu.memory_space<hbm>> -> memref<100000x16xf32, #tpu.memory_space<hbm>>
    %dma_start3A_686 = arith.constant 0 : i32
    %dma_start3A_687 = arith.constant 0 : i32
    %dma_start3A_688 = tpu.memref_slice %dma_start3A_685[%dma_start3A_686, %dma_start3A_687] : memref<100000x16xf32, #tpu.memory_space<hbm>> -> memref<100000x16xf32, #tpu.memory_space<hbm>>
    tpu.enqueue_indirect_dma source(%dma_start3A_688 : memref<100000x16xf32, #tpu.memory_space<hbm>>) target(%arg8 : memref<512x16xf32, #tpu.memory_space<vmem>>) offsets(%dma_start3A_681 : memref<512xi32, #tpu.memory_space<vmem>>) semaphore(%arg16 : memref<!tpu.dma_semaphore, #tpu.memory_space<semaphore_mem>>)
    %dma_wait3A_689 = arith.constant 6 : i32
    %dma_wait3A_690 = arith.constant 19 : i32
    %dma_wait3A_691 = arith.constant 0 : i32
    %dma_wait3A_692 = tpu.memref_slice %arg6[%dma_wait3A_690, %dma_wait3A_691] : memref<26x512xi32, #tpu.memory_space<vmem>> -> memref<1x512xi32, #tpu.memory_space<vmem>>
    %dma_wait3A_693 = tpu.memref_squeeze %dma_wait3A_692 : memref<1x512xi32, #tpu.memory_space<vmem>> -> memref<512xi32, #tpu.memory_space<vmem>>
    %dma_wait3A_694 = arith.constant 0 : i32
    %dma_wait3A_695 = arith.constant 0 : i32
    %dma_wait3A_696 = tpu.memref_slice %arg4[%dma_wait3A_689, %dma_wait3A_694, %dma_wait3A_695] : memref<13x100000x16xf32, #tpu.memory_space<hbm>> -> memref<1x100000x16xf32, #tpu.memory_space<hbm>>
    %dma_wait3A_697 = tpu.memref_squeeze %dma_wait3A_696 : memref<1x100000x16xf32, #tpu.memory_space<hbm>> -> memref<100000x16xf32, #tpu.memory_space<hbm>>
    %dma_wait3A_698 = arith.constant 0 : i32
    %dma_wait3A_699 = arith.constant 0 : i32
    %dma_wait3A_700 = tpu.memref_slice %dma_wait3A_697[%dma_wait3A_698, %dma_wait3A_699] : memref<100000x16xf32, #tpu.memory_space<hbm>> -> memref<100000x16xf32, #tpu.memory_space<hbm>>
    tpu.wait_indirect_dma semaphore(%arg18 : memref<!tpu.dma_semaphore, #tpu.memory_space<semaphore_mem>>) src(%dma_wait3A_700 : memref<100000x16xf32, #tpu.memory_space<hbm>>) dst(%arg10 : memref<512x16xf32, #tpu.memory_space<vmem>>)
    %dma_start3A_701 = arith.constant 304 : i32
    %dma_start3A_702 = tpu.memref_slice %arg5[%mul3A_2, %dma_start3A_701] : memref<16384x416xf32, #tpu.memory_space<hbm>> -> memref<512x16xf32, #tpu.memory_space<hbm>>
    %dma_start3A_703 = arith.constant 304 : i32
    %dma_start3A_704 = tpu.memref_slice %arg5[%mul3A_2, %dma_start3A_703] : memref<16384x416xf32, #tpu.memory_space<hbm>> -> memref<512x16xf32, #tpu.memory_space<hbm>>
    tpu.enqueue_dma source(%arg10 : memref<512x16xf32, #tpu.memory_space<vmem>>) target(%dma_start3A_704 : memref<512x16xf32, #tpu.memory_space<hbm>>) target_semaphore(%arg26 : memref<!tpu.dma_semaphore, #tpu.memory_space<semaphore_mem>>)
    %dma_wait3A_705 = arith.constant 7 : i32
    %dma_wait3A_706 = arith.constant 20 : i32
    %dma_wait3A_707 = arith.constant 0 : i32
    %dma_wait3A_708 = tpu.memref_slice %arg6[%dma_wait3A_706, %dma_wait3A_707] : memref<26x512xi32, #tpu.memory_space<vmem>> -> memref<1x512xi32, #tpu.memory_space<vmem>>
    %dma_wait3A_709 = tpu.memref_squeeze %dma_wait3A_708 : memref<1x512xi32, #tpu.memory_space<vmem>> -> memref<512xi32, #tpu.memory_space<vmem>>
    %dma_wait3A_710 = arith.constant 0 : i32
    %dma_wait3A_711 = arith.constant 0 : i32
    %dma_wait3A_712 = tpu.memref_slice %arg4[%dma_wait3A_705, %dma_wait3A_710, %dma_wait3A_711] : memref<13x100000x16xf32, #tpu.memory_space<hbm>> -> memref<1x100000x16xf32, #tpu.memory_space<hbm>>
    %dma_wait3A_713 = tpu.memref_squeeze %dma_wait3A_712 : memref<1x100000x16xf32, #tpu.memory_space<hbm>> -> memref<100000x16xf32, #tpu.memory_space<hbm>>
    %dma_wait3A_714 = arith.constant 0 : i32
    %dma_wait3A_715 = arith.constant 0 : i32
    %dma_wait3A_716 = tpu.memref_slice %dma_wait3A_713[%dma_wait3A_714, %dma_wait3A_715] : memref<100000x16xf32, #tpu.memory_space<hbm>> -> memref<100000x16xf32, #tpu.memory_space<hbm>>
    tpu.wait_indirect_dma semaphore(%arg19 : memref<!tpu.dma_semaphore, #tpu.memory_space<semaphore_mem>>) src(%dma_wait3A_716 : memref<100000x16xf32, #tpu.memory_space<hbm>>) dst(%arg11 : memref<512x16xf32, #tpu.memory_space<vmem>>)
    %dma_start3A_717 = arith.constant 320 : i32
    %dma_start3A_718 = tpu.memref_slice %arg5[%mul3A_2, %dma_start3A_717] : memref<16384x416xf32, #tpu.memory_space<hbm>> -> memref<512x16xf32, #tpu.memory_space<hbm>>
    %dma_start3A_719 = arith.constant 320 : i32
    %dma_start3A_720 = tpu.memref_slice %arg5[%mul3A_2, %dma_start3A_719] : memref<16384x416xf32, #tpu.memory_space<hbm>> -> memref<512x16xf32, #tpu.memory_space<hbm>>
    tpu.enqueue_dma source(%arg11 : memref<512x16xf32, #tpu.memory_space<vmem>>) target(%dma_start3A_720 : memref<512x16xf32, #tpu.memory_space<hbm>>) target_semaphore(%arg27 : memref<!tpu.dma_semaphore, #tpu.memory_space<semaphore_mem>>)
    %dma_wait3A_721 = arith.constant 8 : i32
    %dma_wait3A_722 = arith.constant 21 : i32
    %dma_wait3A_723 = arith.constant 0 : i32
    %dma_wait3A_724 = tpu.memref_slice %arg6[%dma_wait3A_722, %dma_wait3A_723] : memref<26x512xi32, #tpu.memory_space<vmem>> -> memref<1x512xi32, #tpu.memory_space<vmem>>
    %dma_wait3A_725 = tpu.memref_squeeze %dma_wait3A_724 : memref<1x512xi32, #tpu.memory_space<vmem>> -> memref<512xi32, #tpu.memory_space<vmem>>
    %dma_wait3A_726 = arith.constant 0 : i32
    %dma_wait3A_727 = arith.constant 0 : i32
    %dma_wait3A_728 = tpu.memref_slice %arg4[%dma_wait3A_721, %dma_wait3A_726, %dma_wait3A_727] : memref<13x100000x16xf32, #tpu.memory_space<hbm>> -> memref<1x100000x16xf32, #tpu.memory_space<hbm>>
    %dma_wait3A_729 = tpu.memref_squeeze %dma_wait3A_728 : memref<1x100000x16xf32, #tpu.memory_space<hbm>> -> memref<100000x16xf32, #tpu.memory_space<hbm>>
    %dma_wait3A_730 = arith.constant 0 : i32
    %dma_wait3A_731 = arith.constant 0 : i32
    %dma_wait3A_732 = tpu.memref_slice %dma_wait3A_729[%dma_wait3A_730, %dma_wait3A_731] : memref<100000x16xf32, #tpu.memory_space<hbm>> -> memref<100000x16xf32, #tpu.memory_space<hbm>>
    tpu.wait_indirect_dma semaphore(%arg20 : memref<!tpu.dma_semaphore, #tpu.memory_space<semaphore_mem>>) src(%dma_wait3A_732 : memref<100000x16xf32, #tpu.memory_space<hbm>>) dst(%arg12 : memref<512x16xf32, #tpu.memory_space<vmem>>)
    %dma_start3A_733 = arith.constant 336 : i32
    %dma_start3A_734 = tpu.memref_slice %arg5[%mul3A_2, %dma_start3A_733] : memref<16384x416xf32, #tpu.memory_space<hbm>> -> memref<512x16xf32, #tpu.memory_space<hbm>>
    %dma_start3A_735 = arith.constant 336 : i32
    %dma_start3A_736 = tpu.memref_slice %arg5[%mul3A_2, %dma_start3A_735] : memref<16384x416xf32, #tpu.memory_space<hbm>> -> memref<512x16xf32, #tpu.memory_space<hbm>>
    tpu.enqueue_dma source(%arg12 : memref<512x16xf32, #tpu.memory_space<vmem>>) target(%dma_start3A_736 : memref<512x16xf32, #tpu.memory_space<hbm>>) target_semaphore(%arg28 : memref<!tpu.dma_semaphore, #tpu.memory_space<semaphore_mem>>)
    %dma_wait3A_737 = arith.constant 9 : i32
    %dma_wait3A_738 = arith.constant 22 : i32
    %dma_wait3A_739 = arith.constant 0 : i32
    %dma_wait3A_740 = tpu.memref_slice %arg6[%dma_wait3A_738, %dma_wait3A_739] : memref<26x512xi32, #tpu.memory_space<vmem>> -> memref<1x512xi32, #tpu.memory_space<vmem>>
    %dma_wait3A_741 = tpu.memref_squeeze %dma_wait3A_740 : memref<1x512xi32, #tpu.memory_space<vmem>> -> memref<512xi32, #tpu.memory_space<vmem>>
    %dma_wait3A_742 = arith.constant 0 : i32
    %dma_wait3A_743 = arith.constant 0 : i32
    %dma_wait3A_744 = tpu.memref_slice %arg4[%dma_wait3A_737, %dma_wait3A_742, %dma_wait3A_743] : memref<13x100000x16xf32, #tpu.memory_space<hbm>> -> memref<1x100000x16xf32, #tpu.memory_space<hbm>>
    %dma_wait3A_745 = tpu.memref_squeeze %dma_wait3A_744 : memref<1x100000x16xf32, #tpu.memory_space<hbm>> -> memref<100000x16xf32, #tpu.memory_space<hbm>>
    %dma_wait3A_746 = arith.constant 0 : i32
    %dma_wait3A_747 = arith.constant 0 : i32
    %dma_wait3A_748 = tpu.memref_slice %dma_wait3A_745[%dma_wait3A_746, %dma_wait3A_747] : memref<100000x16xf32, #tpu.memory_space<hbm>> -> memref<100000x16xf32, #tpu.memory_space<hbm>>
    tpu.wait_indirect_dma semaphore(%arg21 : memref<!tpu.dma_semaphore, #tpu.memory_space<semaphore_mem>>) src(%dma_wait3A_748 : memref<100000x16xf32, #tpu.memory_space<hbm>>) dst(%arg13 : memref<512x16xf32, #tpu.memory_space<vmem>>)
    %dma_start3A_749 = arith.constant 352 : i32
    %dma_start3A_750 = tpu.memref_slice %arg5[%mul3A_2, %dma_start3A_749] : memref<16384x416xf32, #tpu.memory_space<hbm>> -> memref<512x16xf32, #tpu.memory_space<hbm>>
    %dma_start3A_751 = arith.constant 352 : i32
    %dma_start3A_752 = tpu.memref_slice %arg5[%mul3A_2, %dma_start3A_751] : memref<16384x416xf32, #tpu.memory_space<hbm>> -> memref<512x16xf32, #tpu.memory_space<hbm>>
    tpu.enqueue_dma source(%arg13 : memref<512x16xf32, #tpu.memory_space<vmem>>) target(%dma_start3A_752 : memref<512x16xf32, #tpu.memory_space<hbm>>) target_semaphore(%arg29 : memref<!tpu.dma_semaphore, #tpu.memory_space<semaphore_mem>>)
    %dma_wait3A_753 = arith.constant 10 : i32
    %dma_wait3A_754 = arith.constant 23 : i32
    %dma_wait3A_755 = arith.constant 0 : i32
    %dma_wait3A_756 = tpu.memref_slice %arg6[%dma_wait3A_754, %dma_wait3A_755] : memref<26x512xi32, #tpu.memory_space<vmem>> -> memref<1x512xi32, #tpu.memory_space<vmem>>
    %dma_wait3A_757 = tpu.memref_squeeze %dma_wait3A_756 : memref<1x512xi32, #tpu.memory_space<vmem>> -> memref<512xi32, #tpu.memory_space<vmem>>
    %dma_wait3A_758 = arith.constant 0 : i32
    %dma_wait3A_759 = arith.constant 0 : i32
    %dma_wait3A_760 = tpu.memref_slice %arg4[%dma_wait3A_753, %dma_wait3A_758, %dma_wait3A_759] : memref<13x100000x16xf32, #tpu.memory_space<hbm>> -> memref<1x100000x16xf32, #tpu.memory_space<hbm>>
    %dma_wait3A_761 = tpu.memref_squeeze %dma_wait3A_760 : memref<1x100000x16xf32, #tpu.memory_space<hbm>> -> memref<100000x16xf32, #tpu.memory_space<hbm>>
    %dma_wait3A_762 = arith.constant 0 : i32
    %dma_wait3A_763 = arith.constant 0 : i32
    %dma_wait3A_764 = tpu.memref_slice %dma_wait3A_761[%dma_wait3A_762, %dma_wait3A_763] : memref<100000x16xf32, #tpu.memory_space<hbm>> -> memref<100000x16xf32, #tpu.memory_space<hbm>>
    tpu.wait_indirect_dma semaphore(%arg22 : memref<!tpu.dma_semaphore, #tpu.memory_space<semaphore_mem>>) src(%dma_wait3A_764 : memref<100000x16xf32, #tpu.memory_space<hbm>>) dst(%arg14 : memref<512x16xf32, #tpu.memory_space<vmem>>)
    %dma_start3A_765 = arith.constant 368 : i32
    %dma_start3A_766 = tpu.memref_slice %arg5[%mul3A_2, %dma_start3A_765] : memref<16384x416xf32, #tpu.memory_space<hbm>> -> memref<512x16xf32, #tpu.memory_space<hbm>>
    %dma_start3A_767 = arith.constant 368 : i32
    %dma_start3A_768 = tpu.memref_slice %arg5[%mul3A_2, %dma_start3A_767] : memref<16384x416xf32, #tpu.memory_space<hbm>> -> memref<512x16xf32, #tpu.memory_space<hbm>>
    tpu.enqueue_dma source(%arg14 : memref<512x16xf32, #tpu.memory_space<vmem>>) target(%dma_start3A_768 : memref<512x16xf32, #tpu.memory_space<hbm>>) target_semaphore(%arg30 : memref<!tpu.dma_semaphore, #tpu.memory_space<semaphore_mem>>)
    %dma_wait3A_769 = arith.constant 11 : i32
    %dma_wait3A_770 = arith.constant 24 : i32
    %dma_wait3A_771 = arith.constant 0 : i32
    %dma_wait3A_772 = tpu.memref_slice %arg6[%dma_wait3A_770, %dma_wait3A_771] : memref<26x512xi32, #tpu.memory_space<vmem>> -> memref<1x512xi32, #tpu.memory_space<vmem>>
    %dma_wait3A_773 = tpu.memref_squeeze %dma_wait3A_772 : memref<1x512xi32, #tpu.memory_space<vmem>> -> memref<512xi32, #tpu.memory_space<vmem>>
    %dma_wait3A_774 = arith.constant 0 : i32
    %dma_wait3A_775 = arith.constant 0 : i32
    %dma_wait3A_776 = tpu.memref_slice %arg4[%dma_wait3A_769, %dma_wait3A_774, %dma_wait3A_775] : memref<13x100000x16xf32, #tpu.memory_space<hbm>> -> memref<1x100000x16xf32, #tpu.memory_space<hbm>>
    %dma_wait3A_777 = tpu.memref_squeeze %dma_wait3A_776 : memref<1x100000x16xf32, #tpu.memory_space<hbm>> -> memref<100000x16xf32, #tpu.memory_space<hbm>>
    %dma_wait3A_778 = arith.constant 0 : i32
    %dma_wait3A_779 = arith.constant 0 : i32
    %dma_wait3A_780 = tpu.memref_slice %dma_wait3A_777[%dma_wait3A_778, %dma_wait3A_779] : memref<100000x16xf32, #tpu.memory_space<hbm>> -> memref<100000x16xf32, #tpu.memory_space<hbm>>
    tpu.wait_indirect_dma semaphore(%arg15 : memref<!tpu.dma_semaphore, #tpu.memory_space<semaphore_mem>>) src(%dma_wait3A_780 : memref<100000x16xf32, #tpu.memory_space<hbm>>) dst(%arg7 : memref<512x16xf32, #tpu.memory_space<vmem>>)
    %dma_start3A_781 = arith.constant 384 : i32
    %dma_start3A_782 = tpu.memref_slice %arg5[%mul3A_2, %dma_start3A_781] : memref<16384x416xf32, #tpu.memory_space<hbm>> -> memref<512x16xf32, #tpu.memory_space<hbm>>
    %dma_start3A_783 = arith.constant 384 : i32
    %dma_start3A_784 = tpu.memref_slice %arg5[%mul3A_2, %dma_start3A_783] : memref<16384x416xf32, #tpu.memory_space<hbm>> -> memref<512x16xf32, #tpu.memory_space<hbm>>
    tpu.enqueue_dma source(%arg7 : memref<512x16xf32, #tpu.memory_space<vmem>>) target(%dma_start3A_784 : memref<512x16xf32, #tpu.memory_space<hbm>>) target_semaphore(%arg23 : memref<!tpu.dma_semaphore, #tpu.memory_space<semaphore_mem>>)
    %dma_wait3A_785 = arith.constant 12 : i32
    %dma_wait3A_786 = arith.constant 25 : i32
    %dma_wait3A_787 = arith.constant 0 : i32
    %dma_wait3A_788 = tpu.memref_slice %arg6[%dma_wait3A_786, %dma_wait3A_787] : memref<26x512xi32, #tpu.memory_space<vmem>> -> memref<1x512xi32, #tpu.memory_space<vmem>>
    %dma_wait3A_789 = tpu.memref_squeeze %dma_wait3A_788 : memref<1x512xi32, #tpu.memory_space<vmem>> -> memref<512xi32, #tpu.memory_space<vmem>>
    %dma_wait3A_790 = arith.constant 0 : i32
    %dma_wait3A_791 = arith.constant 0 : i32
    %dma_wait3A_792 = tpu.memref_slice %arg4[%dma_wait3A_785, %dma_wait3A_790, %dma_wait3A_791] : memref<13x100000x16xf32, #tpu.memory_space<hbm>> -> memref<1x100000x16xf32, #tpu.memory_space<hbm>>
    %dma_wait3A_793 = tpu.memref_squeeze %dma_wait3A_792 : memref<1x100000x16xf32, #tpu.memory_space<hbm>> -> memref<100000x16xf32, #tpu.memory_space<hbm>>
    %dma_wait3A_794 = arith.constant 0 : i32
    %dma_wait3A_795 = arith.constant 0 : i32
    %dma_wait3A_796 = tpu.memref_slice %dma_wait3A_793[%dma_wait3A_794, %dma_wait3A_795] : memref<100000x16xf32, #tpu.memory_space<hbm>> -> memref<100000x16xf32, #tpu.memory_space<hbm>>
    tpu.wait_indirect_dma semaphore(%arg16 : memref<!tpu.dma_semaphore, #tpu.memory_space<semaphore_mem>>) src(%dma_wait3A_796 : memref<100000x16xf32, #tpu.memory_space<hbm>>) dst(%arg8 : memref<512x16xf32, #tpu.memory_space<vmem>>)
    %dma_start3A_797 = arith.constant 400 : i32
    %dma_start3A_798 = tpu.memref_slice %arg5[%mul3A_2, %dma_start3A_797] : memref<16384x416xf32, #tpu.memory_space<hbm>> -> memref<512x16xf32, #tpu.memory_space<hbm>>
    %dma_start3A_799 = arith.constant 400 : i32
    %dma_start3A_800 = tpu.memref_slice %arg5[%mul3A_2, %dma_start3A_799] : memref<16384x416xf32, #tpu.memory_space<hbm>> -> memref<512x16xf32, #tpu.memory_space<hbm>>
    tpu.enqueue_dma source(%arg8 : memref<512x16xf32, #tpu.memory_space<vmem>>) target(%dma_start3A_800 : memref<512x16xf32, #tpu.memory_space<hbm>>) target_semaphore(%arg24 : memref<!tpu.dma_semaphore, #tpu.memory_space<semaphore_mem>>)
    %dma_wait3A_801 = arith.constant 384 : i32
    %dma_wait3A_802 = tpu.memref_slice %arg5[%mul3A_2, %dma_wait3A_801] : memref<16384x416xf32, #tpu.memory_space<hbm>> -> memref<512x16xf32, #tpu.memory_space<hbm>>
    %dma_wait3A_803 = arith.constant 384 : i32
    %dma_wait3A_804 = tpu.memref_slice %arg5[%mul3A_2, %dma_wait3A_803] : memref<16384x416xf32, #tpu.memory_space<hbm>> -> memref<512x16xf32, #tpu.memory_space<hbm>>
    tpu.wait_dma2 semaphore(%arg23 : memref<!tpu.dma_semaphore, #tpu.memory_space<semaphore_mem>>) src(%arg7 : memref<512x16xf32, #tpu.memory_space<vmem>>) dst(%dma_wait3A_804 : memref<512x16xf32, #tpu.memory_space<hbm>>)
    %dma_wait3A_805 = arith.constant 400 : i32
    %dma_wait3A_806 = tpu.memref_slice %arg5[%mul3A_2, %dma_wait3A_805] : memref<16384x416xf32, #tpu.memory_space<hbm>> -> memref<512x16xf32, #tpu.memory_space<hbm>>
    %dma_wait3A_807 = arith.constant 400 : i32
    %dma_wait3A_808 = tpu.memref_slice %arg5[%mul3A_2, %dma_wait3A_807] : memref<16384x416xf32, #tpu.memory_space<hbm>> -> memref<512x16xf32, #tpu.memory_space<hbm>>
    tpu.wait_dma2 semaphore(%arg24 : memref<!tpu.dma_semaphore, #tpu.memory_space<semaphore_mem>>) src(%arg8 : memref<512x16xf32, #tpu.memory_space<vmem>>) dst(%dma_wait3A_808 : memref<512x16xf32, #tpu.memory_space<hbm>>)
    %dma_wait3A_809 = arith.constant 288 : i32
    %dma_wait3A_810 = tpu.memref_slice %arg5[%mul3A_2, %dma_wait3A_809] : memref<16384x416xf32, #tpu.memory_space<hbm>> -> memref<512x16xf32, #tpu.memory_space<hbm>>
    %dma_wait3A_811 = arith.constant 288 : i32
    %dma_wait3A_812 = tpu.memref_slice %arg5[%mul3A_2, %dma_wait3A_811] : memref<16384x416xf32, #tpu.memory_space<hbm>> -> memref<512x16xf32, #tpu.memory_space<hbm>>
    tpu.wait_dma2 semaphore(%arg25 : memref<!tpu.dma_semaphore, #tpu.memory_space<semaphore_mem>>) src(%arg9 : memref<512x16xf32, #tpu.memory_space<vmem>>) dst(%dma_wait3A_812 : memref<512x16xf32, #tpu.memory_space<hbm>>)
    %dma_wait3A_813 = arith.constant 304 : i32
    %dma_wait3A_814 = tpu.memref_slice %arg5[%mul3A_2, %dma_wait3A_813] : memref<16384x416xf32, #tpu.memory_space<hbm>> -> memref<512x16xf32, #tpu.memory_space<hbm>>
    %dma_wait3A_815 = arith.constant 304 : i32
    %dma_wait3A_816 = tpu.memref_slice %arg5[%mul3A_2, %dma_wait3A_815] : memref<16384x416xf32, #tpu.memory_space<hbm>> -> memref<512x16xf32, #tpu.memory_space<hbm>>
    tpu.wait_dma2 semaphore(%arg26 : memref<!tpu.dma_semaphore, #tpu.memory_space<semaphore_mem>>) src(%arg10 : memref<512x16xf32, #tpu.memory_space<vmem>>) dst(%dma_wait3A_816 : memref<512x16xf32, #tpu.memory_space<hbm>>)
    %dma_wait3A_817 = arith.constant 320 : i32
    %dma_wait3A_818 = tpu.memref_slice %arg5[%mul3A_2, %dma_wait3A_817] : memref<16384x416xf32, #tpu.memory_space<hbm>> -> memref<512x16xf32, #tpu.memory_space<hbm>>
    %dma_wait3A_819 = arith.constant 320 : i32
    %dma_wait3A_820 = tpu.memref_slice %arg5[%mul3A_2, %dma_wait3A_819] : memref<16384x416xf32, #tpu.memory_space<hbm>> -> memref<512x16xf32, #tpu.memory_space<hbm>>
    tpu.wait_dma2 semaphore(%arg27 : memref<!tpu.dma_semaphore, #tpu.memory_space<semaphore_mem>>) src(%arg11 : memref<512x16xf32, #tpu.memory_space<vmem>>) dst(%dma_wait3A_820 : memref<512x16xf32, #tpu.memory_space<hbm>>)
    %dma_wait3A_821 = arith.constant 336 : i32
    %dma_wait3A_822 = tpu.memref_slice %arg5[%mul3A_2, %dma_wait3A_821] : memref<16384x416xf32, #tpu.memory_space<hbm>> -> memref<512x16xf32, #tpu.memory_space<hbm>>
    %dma_wait3A_823 = arith.constant 336 : i32
    %dma_wait3A_824 = tpu.memref_slice %arg5[%mul3A_2, %dma_wait3A_823] : memref<16384x416xf32, #tpu.memory_space<hbm>> -> memref<512x16xf32, #tpu.memory_space<hbm>>
    tpu.wait_dma2 semaphore(%arg28 : memref<!tpu.dma_semaphore, #tpu.memory_space<semaphore_mem>>) src(%arg12 : memref<512x16xf32, #tpu.memory_space<vmem>>) dst(%dma_wait3A_824 : memref<512x16xf32, #tpu.memory_space<hbm>>)
    %dma_wait3A_825 = arith.constant 352 : i32
    %dma_wait3A_826 = tpu.memref_slice %arg5[%mul3A_2, %dma_wait3A_825] : memref<16384x416xf32, #tpu.memory_space<hbm>> -> memref<512x16xf32, #tpu.memory_space<hbm>>
    %dma_wait3A_827 = arith.constant 352 : i32
    %dma_wait3A_828 = tpu.memref_slice %arg5[%mul3A_2, %dma_wait3A_827] : memref<16384x416xf32, #tpu.memory_space<hbm>> -> memref<512x16xf32, #tpu.memory_space<hbm>>
    tpu.wait_dma2 semaphore(%arg29 : memref<!tpu.dma_semaphore, #tpu.memory_space<semaphore_mem>>) src(%arg13 : memref<512x16xf32, #tpu.memory_space<vmem>>) dst(%dma_wait3A_828 : memref<512x16xf32, #tpu.memory_space<hbm>>)
    %dma_wait3A_829 = arith.constant 368 : i32
    %dma_wait3A_830 = tpu.memref_slice %arg5[%mul3A_2, %dma_wait3A_829] : memref<16384x416xf32, #tpu.memory_space<hbm>> -> memref<512x16xf32, #tpu.memory_space<hbm>>
    %dma_wait3A_831 = arith.constant 368 : i32
    %dma_wait3A_832 = tpu.memref_slice %arg5[%mul3A_2, %dma_wait3A_831] : memref<16384x416xf32, #tpu.memory_space<hbm>> -> memref<512x16xf32, #tpu.memory_space<hbm>>
    tpu.wait_dma2 semaphore(%arg30 : memref<!tpu.dma_semaphore, #tpu.memory_space<semaphore_mem>>) src(%arg14 : memref<512x16xf32, #tpu.memory_space<vmem>>) dst(%dma_wait3A_832 : memref<512x16xf32, #tpu.memory_space<hbm>>)
    return
  }
}

</mosaic_0001>

<sc_bundles>
// kernel: kernel.3.cloned.1.call-start
scs
__scs_entry_jumppad:
0x0: {  	(pc) =	sbr.rel $0x88, $3  }
0x1: {  	(tag) =	ssettag $0x0;
	lr =	simm.s32 $0x1  }
0x2: {  	[smem:$0x3F9E] =	sst lr;
	_ =	strace $0xD0000000  }
0x3: {  	_ = 	snop  }
0x4: {  	_ = 	snop  }
0x5: {  	_ = 	snop  }
0x6: {  	_ = 	snop  }
0x7: {  	_ = 	snop  }
__scs_overlays_trampoline_lowered:
0x8: {  	[smem:$0x3FAD] =	sst s0  }
0x9: {  	[smem:$0x3FAE] =	sst s1  }
0xa: {  	[smem:$0x3FAF] =	sst s2  }
0xb: {  	[smem:$0x3FB0] =	sst s3  }
0xc: {  	[smem:$0x3FB1] =	sst s4  }
0xd: {  	[smem:$0x3FB2] =	sst s5  }
0xe: {  	[smem:$0x3FB3] =	sst s6  }
0xf: {  	[smem:$0x3FB4] =	sst s7  }
0x10: {  	[smem:$0x3FB5] =	sst s8  }
0x11: {  	[smem:$0x3FB6] =	sst s9;
	s0 =	simm.s32 @!p0 $0x0  }
0x12: {  	s1 =	sld [smem:$0x3F9C];
	s0 =	simm.s32 @p0 $0x1  }
0x13: {  	[smem:$0x3FB7] =	sst s0;
	s0 =	simm.s32 @!p1 $0x0  }
0x14: {  	s2 =	sld [smem:$0x3F9B];
	s0 =	simm.s32 @p1 $0x1  }
0x15: {  	[smem:$0x3FB8] =	sst s0;
	s0 =	simm.s32 @!p2 $0x0  }
0x16: {  	s3 =	sld [smem:$0x3FDB];
	s0 =	simm.s32 @p2 $0x1  }
0x17: {  	s4 =	simm.s32 $0x1BF5;
	[smem:$0x3FBA] =	sst s0  }
0x18: {  	s0 =	sld [smem:$0x3F9D];
	_ =	swait.ge [sflag:s4], $0x0  }
0x19: {  	s7 =	sld [smem:$0x3F9E]  }
0x1a: {  	s8 =	sadd.s32 $0xFFFFE003, lr  }
0x1b: {  	s9 =	sadd.s32 $0xFFFFFEF7, lr;
	s5 =	simm.s32 $0xFFFFFFFF;
	p2 =	slt.u32 s8, $0xFFFFF086  }
0x1c: {  	p1 =	slt.u32 s9, $0xF7A;
	s5 =	simm.s32 @!p2 $0x0  }
0x1d: {  	s5 =	simm.s32 @p1 $0x1;
	p0 =	seq.s32 s7, s2  }
0x1e: {  	s7 =	smul.u32 @!p0 $0xF7A, s2;
	p2 =	seq.s32 @!p0 s5, $0x0  }
0x1f: {  	s9 =	smul.u32 $0xF7A, s1;
	s8 =	simm.s32 @!p0 $0x1BF5;
	p2 =	por !p2, p0  }
0x20: {  	[sflag:s8] =	ssyncset.s32 @!p0 $0xFFFFF086;
	s6 =	sadd.s32 @!p0 s3, s7;
	s7 =	simm.s32 @!p0 $0x108  }
0x21: {  	s3 =	sadd.s32 s3, s9;
	s6 =	sadd.s32 @!p0 $0x88, s6;
	s7 =	simm.s32 @p2 $0x1082  }
0x22: {  	[simem:s7], [sflag:s8] =	dma.local @!p0 [hbm:s6], $0xF7A  }
0x23: {  	s9 =	sor.u32 $0xD0000000, s2;
	s6 =	simm.s32 $0x108;
	_ =	swait.ge @!p0 [sflag:s8], $0x0  }
0x24: {  	s3 =	sadd.s32 $0x88, s3;
	s6 =	simm.s32 @!p1 $0x1082;
	[sflag:s4] =	ssyncset.s32 $0xFFFFF086  }
0x25: {  	[simem:s6], [sflag:s4] =	dma.local [hbm:s3], $0xF7A  }
0x26: {  	[smem:$0x3F9E] =	sst s1;
	(tag) =	ssettag s2;
	_ =	strace s9  }
0x27: {  	s1 =	sld [smem:$0x3FAE]  }
0x28: {  	s2 =	sld [smem:$0x3FAF]  }
0x29: {  	s4 =	sld [smem:$0x3FB1]  }
0x2a: {  	p0 =	seq.s32 s5, $0x0;
	s5 =	sld [smem:$0x3FB2]  }
0x2b: {  	s6 =	sld [smem:$0x3FB3]  }
0x2c: {  	s7 =	sld [smem:$0x3FB4]  }
0x2d: {  	s3 =	simm.s32 $0x108;
	s8 =	sld [smem:$0x3FB5]  }
0x2e: {  	s3 =	simm.s32 @!p0 $0x1082;
	s9 =	sld [smem:$0x3FB6]  }
0x2f: {  	lr =	sadd.s32 s0, s3;
	s0 =	sld [smem:$0x3FAD]  }
0x30: {  	s3 =	sld [smem:$0x3FB0]  }
0x31: {  	[smem:$0x3FB9] =	sst s10  }
0x32: {  	s10 =	sld [smem:$0x3FB7];
	_ =	sdelay $0x3  }
0x33: {  	p0 =	seq.s32 s10, $0x1;
	s10 =	sld [smem:$0x3FB9];
	_ =	sdelay $0x3  }
0x34: {  	[smem:$0x3FB9] =	sst s10  }
0x35: {  	s10 =	sld [smem:$0x3FB8];
	_ =	sdelay $0x3  }
0x36: {  	p1 =	seq.s32 s10, $0x1;
	s10 =	sld [smem:$0x3FB9];
	_ =	sdelay $0x3  }
0x37: {  	[smem:$0x3FB9] =	sst s10  }
0x38: {  	s10 =	sld [smem:$0x3FBA]  }
0x39: {  	_ = 	snop;
	(pc) =	sbr.ind lr, $3  }
0x3a: {  	_ = 	snop  }
0x3b: {  	_ = 	snop  }
0x3c: {  	p2 =	seq.s32 s10, $0x1;
	s10 =	sld [smem:$0x3FB9]  }
0x3d: {  	_ =	shalt  }
0x3e: {  	_ =	shalt  }
0x3f: {  	_ =	shalt  }
0x40: {  	_ =	shalt  }
0x41: {  	_ =	shalt  }
0x42: {  	_ =	shalt  }
0x43: {  	_ =	shalt  }
0x44: {  	_ =	shalt  }
0x45: {  	_ =	shalt  }
0x46: {  	_ =	shalt  }
0x47: {  	_ =	shalt  }
0x48: {  	_ =	shalt  }
0x49: {  	_ =	shalt  }
0x4a: {  	_ =	shalt  }
0x4b: {  	_ =	shalt  }
0x4c: {  	_ =	shalt  }
0x4d: {  	_ =	shalt  }
0x4e: {  	_ =	shalt  }
0x4f: {  	_ =	shalt  }
0x50: {  	_ =	shalt  }
0x51: {  	_ =	shalt  }
0x52: {  	_ =	shalt  }
0x53: {  	_ =	shalt  }
0x54: {  	_ =	shalt  }
0x55: {  	_ =	shalt  }
0x56: {  	_ =	shalt  }
0x57: {  	_ =	shalt  }
0x58: {  	_ =	shalt  }
0x59: {  	_ =	shalt  }
0x5a: {  	_ =	shalt  }
0x5b: {  	_ =	shalt  }
0x5c: {  	_ =	shalt  }
0x5d: {  	_ =	shalt  }
0x5e: {  	_ =	shalt  }
0x5f: {  	_ =	shalt  }
0x60: {  	_ =	shalt  }
0x61: {  	_ =	shalt  }
0x62: {  	_ =	shalt  }
0x63: {  	_ =	shalt  }
0x64: {  	_ =	shalt  }
0x65: {  	_ =	shalt  }
0x66: {  	_ =	shalt  }
0x67: {  	_ =	shalt  }
0x68: {  	_ =	shalt  }
0x69: {  	_ =	shalt  }
0x6a: {  	_ =	shalt  }
0x6b: {  	_ =	shalt  }
0x6c: {  	_ =	shalt  }
0x6d: {  	_ =	shalt  }
0x6e: {  	_ =	shalt  }
0x6f: {  	_ =	shalt  }
0x70: {  	_ =	shalt  }
0x71: {  	_ =	shalt  }
0x72: {  	_ =	shalt  }
0x73: {  	_ =	shalt  }
0x74: {  	_ =	shalt  }
0x75: {  	_ =	shalt  }
0x76: {  	_ =	shalt  }
0x77: {  	_ =	shalt  }
0x78: {  	_ =	shalt  }
0x79: {  	_ =	shalt  }
0x7a: {  	_ =	shalt  }
0x7b: {  	_ =	shalt  }
0x7c: {  	_ =	shalt  }
0x7d: {  	_ =	shalt  }
0x7e: {  	_ =	shalt  }
0x7f: {  	_ =	shalt  }
0x80: {  	_ =	shalt  }
0x81: {  	_ =	shalt  }
0x82: {  	_ =	shalt  }
0x83: {  	_ =	shalt  }
0x84: {  	_ =	shalt  }
0x85: {  	_ =	shalt  }
0x86: {  	_ =	shalt  }
0x87: {  	_ =	shalt  }
.Lfunc_end0:
.L_simem_size_0:
called_computation_lowered:
.L_overlay_start_0:
0x88: {  	s2 =	sld [smem:$0x3FD9]  }
0x89: {  	s3 =	sld [smem:$0x3FFE];
	_ =	sdelay $0x1  }
0x8a: {  	s1 =	srdreg.scid  }
0x8b: {  	s0 =	sand.u32 $0x1, s1  }
0x8c: {  	s17 =	sshll.u32 s0, $0xA;
	s2 =	sadd.s32 s3, s2  }
0x8d: {  	s2 =	sadd.s32 s2, s17  }
0x8e: {  	[smem:$0x3FC5] =	sst s2  }
0x8f: {  	_ = 	snop  }
0x90: {  	s2 =	sld [smem:$0x3FD0];
	(tm) =	ssettm $0x1  }
0x91: {  	s18 =	sld [smem:$0x3FFB];
	_ =	sdelay $0x3  }
0x92: {  	_ =	strace s18  }
0x93: {  	s3 =	sld [smem:$0x3FFC];
	_ =	sdelay $0x3  }
0x94: {  	_ =	strace s3  }
0x95: {  	s3 =	sld [smem:$0x3FFD];
	_ =	sdelay $0x3  }
0x96: {  	_ =	strace s3  }
0x97: {  	_ =	strace $0x8FFFFFFF  }
0x98: {  	s19 =	sld [smem:$0x3FDB];
	_ =	sdelay $0x1  }
0x99: {  	s4 =	simm.s32 $_scs_section_size  }
0x9a: {  	s5 =	simm.s32 $_size__tile_overlayer_lowered;
	s6 =	simm.s32 $_tile_overlayer_lowered  }
0x9b: {  	s22 =	simm.s32 $0x1BFF;
	s21 =	sshll.u32 s6, $0x1;
	s3 =	sadd.s32 s4, s19  }
0x9c: {  	s7 =	simm.s32 $0x0;
	s20 =	sshll.u32 s5, $0x1;
	s5 =	sadd.s32 s21, s3  }
0x9d: {  	[timem:s7], [sflag:s22] =	dma.local [hbm:s5], s20  }
0x9e: {  	_ =	swait.ge [sflag:s22], s20  }
0x9f: {  	s4 =	ssub.s32 $0x0, s20;
	[sflag:s22] =	ssyncset.done $0x0  }
0xa0: {  	[sflag:s22] =	ssyncadd.s32 s4;
	_ =	sdelay $0x1  }
0xa1: {  	s23 =	simm.s32 $0x1B8B  }
0xa2: {  	_ =	swait.ge [sflag:s23], $0x1  }
0xa3: {  	[sflag:s23] =	ssyncset.done $0x0  }
0xa4: {  	s25 =	simm.s32 $0x1B8E;
	s24 =	sld [smem:$0x3FFE];
	[sflag:s23] =	ssyncadd.s32 $0xFFFFFFFF  }
0xa5: {  	s26 =	simm.s32 $execute0_lowered;
	[smem:$0x3FD2] =	sst s25  }
0xa6: {  	s5 =	sshll.u32 s26, $0x1;
	_ =	strace $0x80000046;
	[dreg:$0x1] =	wrdreg $0xFFFFFFFF  }
0xa7: {  	s28 =	simm.s32 $_size_execute0_lowered;
	s3 =	sadd.s32 s3, s5;
	[dreg:$0x0] =	wrdreg $0x0  }
0xa8: {  	s5 =	sshll.u32 s28, $0x1;
	[dreg:$0x2] =	wrdreg s3  }
0xa9: {  	[dreg:$0x3] =	wrdreg s5  }
0xaa: {  	[dreg:$0x4] =	wrdreg $0xC0  }
0xab: {  	_ =	task [dreg:s7], $0x5FFFF  }
0xac: {  	[dreg:$0x1] =	wrdreg $0xFFFFFFFF  }
0xad: {  	[dreg:$0x0] =	wrdreg $0x60  }
0xae: {  	[dreg:$0x2] =	wrdreg s24  }
0xaf: {  	[dreg:$0x3] =	wrdreg s2  }
0xb0: {  	[dreg:$0x4] =	wrdreg $0x9  }
0xb1: {  	_ =	task.clear_ibuf [dreg:s7], $0x5FFFF;
	_ =	strace $0x90000046  }
0xb2: {  	s29 =	simm.s32 $0x9;
	_ =	strace $0x80000048  }
0xb3: {  	_ =	swait.ge [sflag:s29], $0x1  }
0xb4: {  	[sflag:s29] =	ssyncadd.s32 $0xFFFFFFFF  }
0xb5: {  	_ =	strace $0x90000048  }
0xb6: {  	_ =	sfence  }
0xb7: {  	s30 =	sld [smem:$0x0];
	_ =	sdelay $0x2  }
0xb8: {  	s31 =	sshll.u32 s1, $0xD;
	s1 =	sshrl.u32 s1, $0x2  }
0xb9: {  	s3 =	sand.u32 $0x4000, s31;
	s1 =	sadd.s32 s1, s30  }
0xba: {  	s0 =	sor.u32 s3, s0;
	s1 =	sshll.u32 s1, $0x11  }
0xbb: {  	s0 =	sor.u32 s1, s0  }
0xbc: {  	s0 =	sadd.s32 $0x8F2B, s0  }
0xbd: {  	[sflag:s0] =	ssyncadd.remote.s32 $0x1  }
0xbe: {  	_ =	sfence.sel $0xFFFF  }
0xbf: {  	[dreg:$0x0] =	wrdreg $0xFFFFFFFF;
	(pc) =	sbr.abs _section_cstart, $3  }
0xc0: {  	[dreg:$0x1] =	wrdreg $0xFFFFFFFF  }
0xc1: {  	_ =	task.clear_ibuf [dreg:s7], $0x2FFFF;
	_ =	strace $0x9FFFFFFF  }
0xc2: {  	(tm) =	ssettm $0x7FFFFFFF  }
0xc3: {  	_ =	shalt  }
tec
execute0_lowered:
.L_overlay_start_1:
0x0: {  	(tag) =	ssettag $0x1  }
0x1: {  	s4 =	rddreg [dreg:$0x0];
	s0 =	srdreg.scid  }
0x2: {  	s3 =	rddreg [dreg:$0x1];
	s2 =	sand.u32 $0x1, s0  }
0x3: {  	s0 =	simm.s32 $0x0;
	[smem:$0x7FC] =	sst s2  }
0x4: {  	s7 =	sadd.s32 $0x1651600, s4;
	[smem:$0x7FF] =	sst s0  }
0x5: {  	s12 =	sadd.s32 $0x13D6800, s4;
	_ =	strace $0x80000047;
	[dreg:$0x3] =	wrdreg s7  }
0x6: {  	s13 =	sadd.s32 $0x1682340, s4;
	[dreg:$0x4] =	wrdreg s12  }
0x7: {  	s14 =	sadd.s32 $0x16B3080, s4;
	[dreg:$0x6] =	wrdreg s13  }
0x8: {  	s15 =	sadd.s32 $0x16E3DC0, s4;
	[dreg:$0x7] =	wrdreg s14  }
0x9: {  	s16 =	sadd.s32 $0x1714B00, s4;
	[dreg:$0x8] =	wrdreg s15  }
0xa: {  	s17 =	sadd.s32 $0x1745840, s4;
	[dreg:$0x9] =	wrdreg s16  }
0xb: {  	s18 =	sadd.s32 $0x1776580, s4;
	[dreg:$0xa] =	wrdreg s17  }
0xc: {  	s19 =	sadd.s32 $0x17A72C0, s4;
	[dreg:$0xb] =	wrdreg s18  }
0xd: {  	s21 =	sadd.s32 $0x17D8000, s4;
	[dreg:$0xc] =	wrdreg s19  }
0xe: {  	s23 =	sadd.s32 $0x1808D40, s4;
	[dreg:$0xe] =	wrdreg s21  }
0xf: {  	s25 =	sadd.s32 $0x1839A80, s4;
	[dreg:$0x10] =	wrdreg s23  }
0x10: {  	s6 =	sshll.u32 s2, $0x9;
	s2 =	sadd.s32 $0x186A7C0, s4;
	[dreg:$0x12] =	wrdreg s25  }
0x11: {  	s9 =	sadd.s32 $0x1407540, s4;
	[dreg:$0x14] =	wrdreg s2  }
0x12: {  	s11 =	sadd.s32 $0x1438280, s4;
	[dreg:$0x19] =	wrdreg s9  }
0x13: {  	[dreg:$0x1b] =	wrdreg s11;
	s13 =	sadd.s32 $0x1468FC0, s4  }
0x14: {  	s15 =	sadd.s32 $0x1499D00, s4;
	[dreg:$0x1d] =	wrdreg s13  }
0x15: {  	s17 =	sadd.s32 $0x14CAA40, s4;
	[dreg:$0x1f] =	wrdreg s15  }
0x16: {  	s19 =	sadd.s32 $0x14FB780, s4;
	[smem:$0x7DF] =	sst s17  }
0x17: {  	s21 =	sadd.s32 $0x152C4C0, s4;
	[smem:$0x7E2] =	sst s19  }
0x18: {  	s23 =	sadd.s32 $0x155D200, s4;
	[smem:$0x7E5] =	sst s21  }
0x19: {  	s25 =	sadd.s32 $0x158DF40, s4;
	[smem:$0x7E8] =	sst s23  }
0x1a: {  	s2 =	sadd.s32 $0x15BEC80, s4;
	[smem:$0x7EB] =	sst s25  }
0x1b: {  	[smem:$0x7EE] =	sst s2;
	s15 =	simm.s32 $0x4000  }
0x1c: {  	s17 =	simm.s32 $0x600;
	[smem:$0x7CC] =	sst s15  }
0x1d: {  	s1 =	stileid.u32;
	s19 =	simm.s32 $0xA00;
	[smem:$0x7CF] =	sst s17  }
0x1e: {  	s5 =	sshll.u32 s1, $0xA;
	s21 =	simm.s32 $0xE00;
	[smem:$0x7CD] =	sst s19  }
0x1f: {  	s5 =	sor.u32 s6, s5;
	s23 =	simm.s32 $0x1200;
	[smem:$0x7D2] =	sst s21  }
0x20: {  	s6 =	sshrl.u32 s5, $0x3;
	s25 =	simm.s32 $0x1600;
	[smem:$0x7D5] =	sst s23  }
0x21: {  	s5 =	smul.u32 $0x34, s5;
	s2 =	simm.s32 $0x1A00;
	[smem:$0x7D7] =	sst s25  }
0x22: {  	s6 =	sadd.s32 s6, s4;
	[smem:$0x7D9] =	sst s2;
	s15 =	simm.s32 $0x3000  }
0x23: {  	s6 =	sadd.s32 $0x600, s6;
	[smem:$0x7F2] =	sst s15  }
0x24: {  	s1 =	sadd.s32 s3, s5;
	s5 =	simm.s32 $0x1E00;
	[dreg:$0x5] =	wrdreg s6  }
0x25: {  	s20 =	sadd.s32 $0x2, s1;
	[smem:$0x7DB] =	sst s5  }
0x26: {  	s22 =	sadd.s32 $0x4, s1;
	[dreg:$0xd] =	wrdreg s20  }
0x27: {  	s24 =	sadd.s32 $0x6, s1;
	[dreg:$0xf] =	wrdreg s22  }
0x28: {  	s26 =	sadd.s32 $0x8, s1;
	[dreg:$0x11] =	wrdreg s24  }
0x29: {  	s3 =	sadd.s32 $0xA, s1;
	[dreg:$0x13] =	wrdreg s26  }
0x2a: {  	s6 =	sadd.s32 $0x189B500, s4;
	[dreg:$0x15] =	wrdreg s3  }
0x2b: {  	s7 =	sadd.s32 $0xC, s1;
	[dreg:$0x16] =	wrdreg s6  }
0x2c: {  	s8 =	sadd.s32 $0xE, s1;
	[dreg:$0x17] =	wrdreg s7  }
0x2d: {  	s10 =	sadd.s32 $0x10, s1;
	[dreg:$0x18] =	wrdreg s8  }
0x2e: {  	s12 =	sadd.s32 $0x12, s1;
	[dreg:$0x1a] =	wrdreg s10  }
0x2f: {  	s14 =	sadd.s32 $0x14, s1;
	[dreg:$0x1c] =	wrdreg s12  }
0x30: {  	s16 =	sadd.s32 $0x16, s1;
	[dreg:$0x1e] =	wrdreg s14  }
0x31: {  	s18 =	sadd.s32 $0x18, s1;
	[smem:$0x7DE] =	sst s16  }
0x32: {  	s9 =	sadd.s32 $0x28, s1;
	[smem:$0x7E1] =	sst s18  }
0x33: {  	s11 =	sadd.s32 $0x2C, s1;
	[smem:$0x7F7] =	sst s9  }
0x34: {  	s13 =	sadd.s32 $0x30, s1;
	[smem:$0x7F9] =	sst s11  }
0x35: {  	s20 =	sadd.s32 $0x1A, s1;
	[smem:$0x7FB] =	sst s13  }
0x36: {  	s22 =	sadd.s32 $0x1C, s1;
	[smem:$0x7E4] =	sst s20  }
0x37: {  	s24 =	sadd.s32 $0x1E, s1;
	[smem:$0x7E7] =	sst s22  }
0x38: {  	s26 =	sadd.s32 $0x20, s1;
	[smem:$0x7EA] =	sst s24  }
0x39: {  	s3 =	sadd.s32 $0x22, s1;
	[smem:$0x7ED] =	sst s26  }
0x3a: {  	s6 =	sadd.s32 $0x15EF9C0, s4;
	[smem:$0x7F0] =	sst s3  }
0x3b: {  	s7 =	sadd.s32 $0x24, s1;
	[smem:$0x7F1] =	sst s6  }
0x3c: {  	s4 =	sadd.s32 $0x1620700, s4;
	[smem:$0x7F3] =	sst s7  }
0x3d: {  	s8 =	sadd.s32 $0x26, s1;
	[smem:$0x7F4] =	sst s4  }
0x3e: {  	s10 =	sadd.s32 $0x2A, s1;
	[smem:$0x7F6] =	sst s8  }
0x3f: {  	s12 =	sadd.s32 $0x2E, s1;
	[smem:$0x7F8] =	sst s10  }
0x40: {  	s14 =	sadd.s32 $0x32, s1;
	[smem:$0x7FA] =	sst s12  }
0x41: {  	s16 =	simm.s32 $0x400;
	[smem:$0x7FD] =	sst s14  }
0x42: {  	s18 =	simm.s32 $0x800;
	[smem:$0x7CE] =	sst s16  }
0x43: {  	s9 =	simm.s32 $0x2600;
	[smem:$0x7D0] =	sst s18  }
0x44: {  	s11 =	simm.s32 $0x2A00;
	[smem:$0x7E3] =	sst s9  }
0x45: {  	s13 =	simm.s32 $0x2E00;
	[smem:$0x7E9] =	sst s11  }
0x46: {  	[smem:$0x7EF] =	sst s13  }
0x47: {  	s14 =	rddreg [dreg:$0x5]  }
0x48: {  	s20 =	simm.s32 $0xC00;
	s16 =	sld [smem:$0x7CC]  }
0x49: {  	s22 =	simm.s32 $0x1000;
	[smem:$0x7D1] =	sst s20  }
0x4a: {  	s24 =	simm.s32 $0x1400;
	[smem:$0x7D4] =	sst s22  }
0x4b: {  	s26 =	simm.s32 $0x1800;
	[smem:$0x7D6] =	sst s24  }
0x4c: {  	s3 =	simm.s32 $0x1C00;
	[smem:$0x7D8] =	sst s26  }
0x4d: {  	s6 =	simm.s32 $0x2000;
	[smem:$0x7DA] =	sst s3  }
0x4e: {  	s7 =	simm.s32 $0x2200;
	[smem:$0x7DC] =	sst s6  }
0x4f: {  	s8 =	simm.s32 $0x2400;
	[smem:$0x7DD] =	sst s7  }
0x50: {  	s10 =	simm.s32 $0x2800;
	[smem:$0x7E0] =	sst s8  }
0x51: {  	s12 =	simm.s32 $0x2C00;
	[smem:$0x7E6] =	sst s10  }
0x52: {  	[smem:$0x7EC] =	sst s12;
	s8 =	simm.s32 $0x3200  }
0x53: {  	s17 =	simm.s32 $0x11;
	s4 =	simm.s32 $0x200;
	[smem:$0x7F5] =	sst s8  }
0x54: {  	[tilespmem:s0], [sflag:$0x11] =	stream.strided.gather [hbm4b:s14+s4], $0x3400, s16, s4, $0x38;
	[tilespmem:$0x13400] =	vst v63  }
0x55: {  	_ =	swait.ge [sflag:s17], $0x3400  }
0x56: {  	s18 =	rddreg [dreg:$0x6]  }
0x57: {  	s13 =	sld [smem:$0x7CD]  }
0x58: {  	s10 =	sld [smem:$0x7CE]  }
0x59: {  	s19 =	rddreg [dreg:$0x3]  }
0x5a: {  	s11 =	rddreg [dreg:$0x7];
	[sflag:s17] =	ssyncset.done $0x0  }
0x5b: {  	s7 =	simm.s32 $0x3400;
	s12 =	rddreg [dreg:$0x9];
	[sflag:s17] =	ssyncadd.s32 $0xFFFFCC00  }
0x5c: {  	[tilespmem:s7], [sflag:$0x1] =	stream.indirect.gather [hbm4b:s19+s4], $0x10, s0, s4, $0xb8;
	[tilespmem:$0x13400] =	vst v63  }
0x5d: {  	s8 =	simm.s32 $0x5400;
	s14 =	rddreg [dreg:$0x8]  }
0x5e: {  	[tilespmem:s8], [sflag:$0x2] =	stream.indirect.gather [hbm4b:s18+s4], $0x10, s4, s4, $0xb8;
	[tilespmem:$0x13400] =	vst v63  }
0x5f: {  	s2 =	simm.s32 $0x7400;
	s15 =	sld [smem:$0x7CF]  }
0x60: {  	[tilespmem:s2], [sflag:$0x3] =	stream.indirect.gather [hbm4b:s11+s4], $0x10, s10, s4, $0xb8;
	[tilespmem:$0x13400] =	vst v63  }
0x61: {  	s3 =	simm.s32 $0x9400;
	s20 =	sld [smem:$0x7D0]  }
0x62: {  	[tilespmem:s3], [sflag:$0x4] =	stream.indirect.gather [hbm4b:s14+s4], $0x10, s15, s4, $0xb8;
	[tilespmem:$0x13400] =	vst v63  }
0x63: {  	s5 =	simm.s32 $0xB400;
	s16 =	rddreg [dreg:$0xa]  }
0x64: {  	[tilespmem:s5], [sflag:$0x5] =	stream.indirect.gather [hbm4b:s12+s4], $0x10, s20, s4, $0xb8;
	[tilespmem:$0x13400] =	vst v63  }
0x65: {  	s9 =	simm.s32 $0xD400;
	s21 =	sld [smem:$0x7D1]  }
0x66: {  	[tilespmem:s9], [sflag:$0x6] =	stream.indirect.gather [hbm4b:s16+s4], $0x10, s13, s4, $0xb8;
	[tilespmem:$0x13400] =	vst v63  }
0x67: {  	s22 =	rddreg [dreg:$0xb];
	s14 =	simm.s32 $0x1;
	s13 =	simm.s32 $0xF400  }
0x68: {  	[tilespmem:s13], [sflag:$0x7] =	stream.indirect.gather [hbm4b:s22+s4], $0x10, s21, s4, $0xb8;
	[tilespmem:$0x13400] =	vst v63  }
0x69: {  	_ =	swait.ge [sflag:s14], $0x2000  }
0x6a: {  	s6 =	simm.s32 $0x10;
	[sflag:s14] =	ssyncset.done $0x0;
	s18 =	sld [smem:$0x7D2]  }
0x6b: {  	s15 =	simm.s32 $0x1A0;
	s19 =	rddreg [dreg:$0xc];
	[sflag:s14] =	ssyncadd.s32 $0xFFFFE000  }
0x6c: {  	[hbm4b:s1+s6] =	stream.strided.scatter [tilespmem:s7], [sflag:$0x9], $0x2000, s15, s6, $0x38;
	[tilespmem:$0x13400] =	vst v63  }
0x6d: {  	s17 =	simm.s32 $0x2;
	s16 =	simm.s32 $0x11400;
	[smem:$0x7D3] =	sst s1  }
0x6e: {  	[tilespmem:s16], [sflag:$0x8] =	stream.indirect.gather [hbm4b:s19+s4], $0x10, s18, s4, $0xb8;
	[tilespmem:$0x13400] =	vst v63  }
0x6f: {  	_ =	swait.ge [sflag:s17], $0x2000  }
0x70: {  	[sflag:s17] =	ssyncset.done $0x0  }
0x71: {  	s18 =	simm.s32 $0x9;
	s23 =	rddreg [dreg:$0xd];
	[sflag:s17] =	ssyncadd.s32 $0xFFFFE000  }
0x72: {  	[hbm4b:s23+s6] =	stream.strided.scatter [tilespmem:s8], [sflag:$0xA], $0x2000, s15, s6, $0x38;
	[tilespmem:$0x13400] =	vst v63  }
0x73: {  	_ =	swait.ge [sflag:s18], $0x2000  }
0x74: {  	s21 =	sld [smem:$0x7D4]  }
0x75: {  	[sflag:s18] =	ssyncset.done $0x0  }
0x76: {  	s19 =	simm.s32 $0x3;
	s20 =	rddreg [dreg:$0xe];
	[sflag:s18] =	ssyncadd.s32 $0xFFFFE000  }
0x77: {  	[tilespmem:s7], [sflag:$0x1] =	stream.indirect.gather [hbm4b:s20+s4], $0x10, s21, s4, $0xb8;
	[tilespmem:$0x13400] =	vst v63  }
0x78: {  	_ =	swait.ge [sflag:s19], $0x2000  }
0x79: {  	[sflag:s19] =	ssyncset.done $0x0  }
0x7a: {  	s20 =	simm.s32 $0xA;
	s24 =	rddreg [dreg:$0xf];
	[sflag:s19] =	ssyncadd.s32 $0xFFFFE000  }
0x7b: {  	[hbm4b:s24+s6] =	stream.strided.scatter [tilespmem:s2], [sflag:$0xB], $0x2000, s15, s6, $0x38;
	[tilespmem:$0x13400] =	vst v63  }
0x7c: {  	_ =	swait.ge [sflag:s20], $0x2000  }
0x7d: {  	s23 =	sld [smem:$0x7D5]  }
0x7e: {  	[sflag:s20] =	ssyncset.done $0x0  }
0x7f: {  	s22 =	simm.s32 $0x4;
	s25 =	rddreg [dreg:$0x10];
	[sflag:s20] =	ssyncadd.s32 $0xFFFFE000  }
0x80: {  	[tilespmem:s8], [sflag:$0x2] =	stream.indirect.gather [hbm4b:s25+s4], $0x10, s23, s4, $0xb8;
	[tilespmem:$0x13400] =	vst v63  }
0x81: {  	_ =	swait.ge [sflag:s22], $0x2000  }
0x82: {  	[sflag:s22] =	ssyncset.done $0x0  }
0x83: {  	s21 =	simm.s32 $0xB;
	s26 =	rddreg [dreg:$0x11];
	[sflag:s22] =	ssyncadd.s32 $0xFFFFE000  }
0x84: {  	[hbm4b:s26+s6] =	stream.strided.scatter [tilespmem:s3], [sflag:$0xC], $0x2000, s15, s6, $0x38;
	[tilespmem:$0x13400] =	vst v63  }
0x85: {  	_ =	swait.ge [sflag:s21], $0x2000  }
0x86: {  	s24 =	sld [smem:$0x7D6]  }
0x87: {  	[sflag:s21] =	ssyncset.done $0x0  }
0x88: {  	s0 =	rddreg [dreg:$0x12];
	[sflag:s21] =	ssyncadd.s32 $0xFFFFE000  }
0x89: {  	[tilespmem:s2], [sflag:$0x3] =	stream.indirect.gather [hbm4b:s0+s4], $0x10, s24, s4, $0xb8;
	[tilespmem:$0x13400] =	vst v63  }
0x8a: {  	s24 =	simm.s32 $0x5  }
0x8b: {  	_ =	swait.ge [sflag:s24], $0x2000  }
0x8c: {  	[sflag:s24] =	ssyncset.done $0x0  }
0x8d: {  	s23 =	simm.s32 $0xC;
	s1 =	rddreg [dreg:$0x13];
	[sflag:s24] =	ssyncadd.s32 $0xFFFFE000  }
0x8e: {  	[hbm4b:s1+s6] =	stream.strided.scatter [tilespmem:s5], [sflag:$0xD], $0x2000, s15, s6, $0x38;
	[tilespmem:$0x13400] =	vst v63  }
0x8f: {  	_ =	swait.ge [sflag:s23], $0x2000  }
0x90: {  	s26 =	sld [smem:$0x7D7]  }
0x91: {  	[sflag:s23] =	ssyncset.done $0x0  }
0x92: {  	s25 =	rddreg [dreg:$0x14];
	[sflag:s23] =	ssyncadd.s32 $0xFFFFE000  }
0x93: {  	[tilespmem:s3], [sflag:$0x4] =	stream.indirect.gather [hbm4b:s25+s4], $0x10, s26, s4, $0xb8;
	[tilespmem:$0x13400] =	vst v63  }
0x94: {  	s26 =	simm.s32 $0x6  }
0x95: {  	_ =	swait.ge [sflag:s26], $0x2000  }
0x96: {  	[sflag:s26] =	ssyncset.done $0x0  }
0x97: {  	s25 =	simm.s32 $0xD;
	s10 =	rddreg [dreg:$0x15];
	[sflag:s26] =	ssyncadd.s32 $0xFFFFE000  }
0x98: {  	[hbm4b:s10+s6] =	stream.strided.scatter [tilespmem:s9], [sflag:$0xE], $0x2000, s15, s6, $0x38;
	[tilespmem:$0x13400] =	vst v63  }
0x99: {  	_ =	swait.ge [sflag:s25], $0x2000  }
0x9a: {  	s29 =	sld [smem:$0x7D8]  }
0x9b: {  	[sflag:s25] =	ssyncset.done $0x0  }
0x9c: {  	s30 =	simm.s32 $0x7;
	s28 =	rddreg [dreg:$0x16];
	[sflag:s25] =	ssyncadd.s32 $0xFFFFE000  }
0x9d: {  	[tilespmem:s5], [sflag:$0x5] =	stream.indirect.gather [hbm4b:s28+s4], $0x10, s29, s4, $0xb8;
	[tilespmem:$0x13400] =	vst v63  }
0x9e: {  	_ =	swait.ge [sflag:s30], $0x2000  }
0x9f: {  	[sflag:s30] =	ssyncset.done $0x0  }
0xa0: {  	s28 =	rddreg [dreg:$0x17];
	[sflag:s30] =	ssyncadd.s32 $0xFFFFE000  }
0xa1: {  	[hbm4b:s28+s6] =	stream.strided.scatter [tilespmem:s13], [sflag:$0xF], $0x2000, s15, s6, $0x38;
	[tilespmem:$0x13400] =	vst v63  }
0xa2: {  	s28 =	simm.s32 $0xE  }
0xa3: {  	_ =	swait.ge [sflag:s28], $0x2000  }
0xa4: {  	s31 =	sld [smem:$0x7D9]  }
0xa5: {  	[sflag:s28] =	ssyncset.done $0x0  }
0xa6: {  	s29 =	rddreg [dreg:$0x4];
	[sflag:s28] =	ssyncadd.s32 $0xFFFFE000  }
0xa7: {  	[tilespmem:s9], [sflag:$0x6] =	stream.indirect.gather [hbm4b:s29+s4], $0x10, s31, s4, $0xb8;
	[tilespmem:$0x13400] =	vst v63  }
0xa8: {  	s31 =	simm.s32 $0x8  }
0xa9: {  	_ =	swait.ge [sflag:s31], $0x2000  }
0xaa: {  	[sflag:s31] =	ssyncset.done $0x0  }
0xab: {  	s29 =	rddreg [dreg:$0x18];
	[sflag:s31] =	ssyncadd.s32 $0xFFFFE000  }
0xac: {  	[hbm4b:s29+s6] =	stream.strided.scatter [tilespmem:s16], [sflag:$0x10], $0x2000, s15, s6, $0x38;
	[tilespmem:$0x13400] =	vst v63  }
0xad: {  	s29 =	simm.s32 $0xF  }
0xae: {  	_ =	swait.ge [sflag:s29], $0x2000  }
0xaf: {  	s12 =	sld [smem:$0x7DA]  }
0xb0: {  	[sflag:s29] =	ssyncset.done $0x0  }
0xb1: {  	s11 =	rddreg [dreg:$0x19];
	[sflag:s29] =	ssyncadd.s32 $0xFFFFE000  }
0xb2: {  	[tilespmem:s13], [sflag:$0x7] =	stream.indirect.gather [hbm4b:s11+s4], $0x10, s12, s4, $0xb8;
	[tilespmem:$0x13400] =	vst v63  }
0xb3: {  	_ =	swait.ge [sflag:s14], $0x2000  }
0xb4: {  	[sflag:s14] =	ssyncset.done $0x0  }
0xb5: {  	s10 =	rddreg [dreg:$0x1a];
	[sflag:s14] =	ssyncadd.s32 $0xFFFFE000  }
0xb6: {  	[hbm4b:s10+s6] =	stream.strided.scatter [tilespmem:s7], [sflag:$0x9], $0x2000, s15, s6, $0x38;
	[tilespmem:$0x13400] =	vst v63  }
0xb7: {  	_ =	swait.ge [sflag:s6], $0x2000  }
0xb8: {  	s12 =	sld [smem:$0x7DB]  }
0xb9: {  	[sflag:s6] =	ssyncset.done $0x0  }
0xba: {  	s11 =	rddreg [dreg:$0x1b];
	[sflag:s6] =	ssyncadd.s32 $0xFFFFE000  }
0xbb: {  	[tilespmem:s16], [sflag:$0x8] =	stream.indirect.gather [hbm4b:s11+s4], $0x10, s12, s4, $0xb8;
	[tilespmem:$0x13400] =	vst v63  }
0xbc: {  	_ =	swait.ge [sflag:s17], $0x2000  }
0xbd: {  	[sflag:s17] =	ssyncset.done $0x0  }
0xbe: {  	s10 =	rddreg [dreg:$0x1c];
	[sflag:s17] =	ssyncadd.s32 $0xFFFFE000  }
0xbf: {  	[hbm4b:s10+s6] =	stream.strided.scatter [tilespmem:s8], [sflag:$0xA], $0x2000, s15, s6, $0x38;
	[tilespmem:$0x13400] =	vst v63  }
0xc0: {  	_ =	swait.ge [sflag:s18], $0x2000  }
0xc1: {  	s12 =	sld [smem:$0x7DC]  }
0xc2: {  	[sflag:s18] =	ssyncset.done $0x0  }
0xc3: {  	s11 =	rddreg [dreg:$0x1d];
	[sflag:s18] =	ssyncadd.s32 $0xFFFFE000  }
0xc4: {  	[tilespmem:s7], [sflag:$0x1] =	stream.indirect.gather [hbm4b:s11+s4], $0x10, s12, s4, $0xb8;
	[tilespmem:$0x13400] =	vst v63  }
0xc5: {  	_ =	swait.ge [sflag:s19], $0x2000  }
0xc6: {  	[sflag:s19] =	ssyncset.done $0x0  }
0xc7: {  	s10 =	rddreg [dreg:$0x1e];
	[sflag:s19] =	ssyncadd.s32 $0xFFFFE000  }
0xc8: {  	[hbm4b:s10+s6] =	stream.strided.scatter [tilespmem:s2], [sflag:$0xB], $0x2000, s15, s6, $0x38;
	[tilespmem:$0x13400] =	vst v63  }
0xc9: {  	_ =	swait.ge [sflag:s20], $0x2000  }
0xca: {  	s12 =	sld [smem:$0x7DD]  }
0xcb: {  	[sflag:s20] =	ssyncset.done $0x0  }
0xcc: {  	s11 =	rddreg [dreg:$0x1f];
	[sflag:s20] =	ssyncadd.s32 $0xFFFFE000  }
0xcd: {  	[tilespmem:s8], [sflag:$0x2] =	stream.indirect.gather [hbm4b:s11+s4], $0x10, s12, s4, $0xb8;
	[tilespmem:$0x13400] =	vst v63  }
0xce: {  	_ =	swait.ge [sflag:s22], $0x2000  }
0xcf: {  	s10 =	sld [smem:$0x7DE]  }
0xd0: {  	[sflag:s22] =	ssyncset.done $0x0  }
0xd1: {  	[sflag:s22] =	ssyncadd.s32 $0xFFFFE000  }
0xd2: {  	[hbm4b:s10+s6] =	stream.strided.scatter [tilespmem:s3], [sflag:$0xC], $0x2000, s15, s6, $0x38;
	[tilespmem:$0x13400] =	vst v63  }
0xd3: {  	_ =	swait.ge [sflag:s21], $0x2000  }
0xd4: {  	s11 =	sld [smem:$0x7DF]  }
0xd5: {  	s12 =	sld [smem:$0x7E0]  }
0xd6: {  	[sflag:s21] =	ssyncset.done $0x0  }
0xd7: {  	[sflag:s21] =	ssyncadd.s32 $0xFFFFE000  }
0xd8: {  	[tilespmem:s2], [sflag:$0x3] =	stream.indirect.gather [hbm4b:s11+s4], $0x10, s12, s4, $0xb8;
	[tilespmem:$0x13400] =	vst v63  }
0xd9: {  	_ =	swait.ge [sflag:s24], $0x2000  }
0xda: {  	s10 =	sld [smem:$0x7E1]  }
0xdb: {  	[sflag:s24] =	ssyncset.done $0x0  }
0xdc: {  	[sflag:s24] =	ssyncadd.s32 $0xFFFFE000  }
0xdd: {  	[hbm4b:s10+s6] =	stream.strided.scatter [tilespmem:s5], [sflag:$0xD], $0x2000, s15, s6, $0x38;
	[tilespmem:$0x13400] =	vst v63  }
0xde: {  	_ =	swait.ge [sflag:s23], $0x2000  }
0xdf: {  	s11 =	sld [smem:$0x7E2]  }
0xe0: {  	s12 =	sld [smem:$0x7E3]  }
0xe1: {  	[sflag:s23] =	ssyncset.done $0x0  }
0xe2: {  	[sflag:s23] =	ssyncadd.s32 $0xFFFFE000  }
0xe3: {  	[tilespmem:s3], [sflag:$0x4] =	stream.indirect.gather [hbm4b:s11+s4], $0x10, s12, s4, $0xb8;
	[tilespmem:$0x13400] =	vst v63  }
0xe4: {  	_ =	swait.ge [sflag:s26], $0x2000  }
0xe5: {  	s10 =	sld [smem:$0x7E4]  }
0xe6: {  	[sflag:s26] =	ssyncset.done $0x0  }
0xe7: {  	[sflag:s26] =	ssyncadd.s32 $0xFFFFE000  }
0xe8: {  	[hbm4b:s10+s6] =	stream.strided.scatter [tilespmem:s9], [sflag:$0xE], $0x2000, s15, s6, $0x38;
	[tilespmem:$0x13400] =	vst v63  }
0xe9: {  	_ =	swait.ge [sflag:s25], $0x2000  }
0xea: {  	s11 =	sld [smem:$0x7E5]  }
0xeb: {  	s12 =	sld [smem:$0x7E6]  }
0xec: {  	[sflag:s25] =	ssyncset.done $0x0  }
0xed: {  	[sflag:s25] =	ssyncadd.s32 $0xFFFFE000  }
0xee: {  	[tilespmem:s5], [sflag:$0x5] =	stream.indirect.gather [hbm4b:s11+s4], $0x10, s12, s4, $0xb8;
	[tilespmem:$0x13400] =	vst v63  }
0xef: {  	_ =	swait.ge [sflag:s30], $0x2000  }
0xf0: {  	s10 =	sld [smem:$0x7E7]  }
0xf1: {  	[sflag:s30] =	ssyncset.done $0x0  }
0xf2: {  	[sflag:s30] =	ssyncadd.s32 $0xFFFFE000  }
0xf3: {  	[hbm4b:s10+s6] =	stream.strided.scatter [tilespmem:s13], [sflag:$0xF], $0x2000, s15, s6, $0x38;
	[tilespmem:$0x13400] =	vst v63  }
0xf4: {  	_ =	swait.ge [sflag:s28], $0x2000  }
0xf5: {  	s11 =	sld [smem:$0x7E8]  }
0xf6: {  	s12 =	sld [smem:$0x7E9]  }
0xf7: {  	[sflag:s28] =	ssyncset.done $0x0  }
0xf8: {  	[sflag:s28] =	ssyncadd.s32 $0xFFFFE000  }
0xf9: {  	[tilespmem:s9], [sflag:$0x6] =	stream.indirect.gather [hbm4b:s11+s4], $0x10, s12, s4, $0xb8;
	[tilespmem:$0x13400] =	vst v63  }
0xfa: {  	_ =	swait.ge [sflag:s31], $0x2000  }
0xfb: {  	s10 =	sld [smem:$0x7EA]  }
0xfc: {  	[sflag:s31] =	ssyncset.done $0x0  }
0xfd: {  	[sflag:s31] =	ssyncadd.s32 $0xFFFFE000  }
0xfe: {  	[hbm4b:s10+s6] =	stream.strided.scatter [tilespmem:s16], [sflag:$0x10], $0x2000, s15, s6, $0x38;
	[tilespmem:$0x13400] =	vst v63  }
0xff: {  	_ =	swait.ge [sflag:s29], $0x2000  }
0x100: {  	s11 =	sld [smem:$0x7EB]  }
0x101: {  	s12 =	sld [smem:$0x7EC]  }
0x102: {  	[sflag:s29] =	ssyncset.done $0x0  }
0x103: {  	[sflag:s29] =	ssyncadd.s32 $0xFFFFE000  }
0x104: {  	[tilespmem:s13], [sflag:$0x7] =	stream.indirect.gather [hbm4b:s11+s4], $0x10, s12, s4, $0xb8;
	[tilespmem:$0x13400] =	vst v63  }
0x105: {  	_ =	swait.ge [sflag:s14], $0x2000  }
0x106: {  	s10 =	sld [smem:$0x7ED]  }
0x107: {  	[sflag:s14] =	ssyncset.done $0x0  }
0x108: {  	[sflag:s14] =	ssyncadd.s32 $0xFFFFE000  }
0x109: {  	[hbm4b:s10+s6] =	stream.strided.scatter [tilespmem:s7], [sflag:$0x9], $0x2000, s15, s6, $0x38;
	[tilespmem:$0x13400] =	vst v63  }
0x10a: {  	_ =	swait.ge [sflag:s6], $0x2000  }
0x10b: {  	s11 =	sld [smem:$0x7EE]  }
0x10c: {  	s12 =	sld [smem:$0x7EF]  }
0x10d: {  	[sflag:s6] =	ssyncset.done $0x0  }
0x10e: {  	[sflag:s6] =	ssyncadd.s32 $0xFFFFE000  }
0x10f: {  	[tilespmem:s16], [sflag:$0x8] =	stream.indirect.gather [hbm4b:s11+s4], $0x10, s12, s4, $0xb8;
	[tilespmem:$0x13400] =	vst v63  }
0x110: {  	_ =	swait.ge [sflag:s17], $0x2000  }
0x111: {  	s10 =	sld [smem:$0x7F0]  }
0x112: {  	[sflag:s17] =	ssyncset.done $0x0  }
0x113: {  	[sflag:s17] =	ssyncadd.s32 $0xFFFFE000  }
0x114: {  	[hbm4b:s10+s6] =	stream.strided.scatter [tilespmem:s8], [sflag:$0xA], $0x2000, s15, s6, $0x38;
	[tilespmem:$0x13400] =	vst v63  }
0x115: {  	_ =	swait.ge [sflag:s18], $0x2000  }
0x116: {  	s11 =	sld [smem:$0x7F1]  }
0x117: {  	s12 =	sld [smem:$0x7F2]  }
0x118: {  	[sflag:s18] =	ssyncset.done $0x0  }
0x119: {  	[sflag:s18] =	ssyncadd.s32 $0xFFFFE000  }
0x11a: {  	[tilespmem:s7], [sflag:$0x1] =	stream.indirect.gather [hbm4b:s11+s4], $0x10, s12, s4, $0xb8;
	[tilespmem:$0x13400] =	vst v63  }
0x11b: {  	_ =	swait.ge [sflag:s19], $0x2000  }
0x11c: {  	s1 =	sld [smem:$0x7F3]  }
0x11d: {  	[sflag:s19] =	ssyncset.done $0x0  }
0x11e: {  	[sflag:s19] =	ssyncadd.s32 $0xFFFFE000  }
0x11f: {  	[hbm4b:s1+s6] =	stream.strided.scatter [tilespmem:s2], [sflag:$0xB], $0x2000, s15, s6, $0x38;
	[tilespmem:$0x13400] =	vst v63  }
0x120: {  	_ =	swait.ge [sflag:s20], $0x2000  }
0x121: {  	s10 =	sld [smem:$0x7F4]  }
0x122: {  	s11 =	sld [smem:$0x7F5]  }
0x123: {  	[sflag:s20] =	ssyncset.done $0x0  }
0x124: {  	[sflag:s20] =	ssyncadd.s32 $0xFFFFE000  }
0x125: {  	[tilespmem:s8], [sflag:$0x2] =	stream.indirect.gather [hbm4b:s10+s4], $0x10, s11, s4, $0xb8;
	[tilespmem:$0x13400] =	vst v63  }
0x126: {  	_ =	swait.ge [sflag:s22], $0x2000  }
0x127: {  	s12 =	sld [smem:$0x7F6]  }
0x128: {  	[sflag:s22] =	ssyncset.done $0x0  }
0x129: {  	[sflag:s22] =	ssyncadd.s32 $0xFFFFE000  }
0x12a: {  	[hbm4b:s12+s6] =	stream.strided.scatter [tilespmem:s3], [sflag:$0xC], $0x2000, s15, s6, $0x38;
	[tilespmem:$0x13400] =	vst v63  }
0x12b: {  	_ =	swait.ge [sflag:s24], $0x2000  }
0x12c: {  	s1 =	sld [smem:$0x7F7]  }
0x12d: {  	[sflag:s24] =	ssyncset.done $0x0  }
0x12e: {  	[sflag:s24] =	ssyncadd.s32 $0xFFFFE000  }
0x12f: {  	[hbm4b:s1+s6] =	stream.strided.scatter [tilespmem:s5], [sflag:$0xD], $0x2000, s15, s6, $0x38;
	[tilespmem:$0x13400] =	vst v63  }
0x130: {  	_ =	swait.ge [sflag:s26], $0x2000  }
0x131: {  	s2 =	sld [smem:$0x7F8]  }
0x132: {  	[sflag:s26] =	ssyncset.done $0x0  }
0x133: {  	[sflag:s26] =	ssyncadd.s32 $0xFFFFE000  }
0x134: {  	[hbm4b:s2+s6] =	stream.strided.scatter [tilespmem:s9], [sflag:$0xE], $0x2000, s15, s6, $0x38;
	[tilespmem:$0x13400] =	vst v63  }
0x135: {  	_ =	swait.ge [sflag:s30], $0x2000  }
0x136: {  	s3 =	sld [smem:$0x7F9]  }
0x137: {  	[sflag:s30] =	ssyncset.done $0x0  }
0x138: {  	[sflag:s30] =	ssyncadd.s32 $0xFFFFE000  }
0x139: {  	[hbm4b:s3+s6] =	stream.strided.scatter [tilespmem:s13], [sflag:$0xF], $0x2000, s15, s6, $0x38;
	[tilespmem:$0x13400] =	vst v63  }
0x13a: {  	_ =	swait.ge [sflag:s31], $0x2000  }
0x13b: {  	s5 =	sld [smem:$0x7FA]  }
0x13c: {  	[sflag:s31] =	ssyncset.done $0x0  }
0x13d: {  	[sflag:s31] =	ssyncadd.s32 $0xFFFFE000  }
0x13e: {  	[hbm4b:s5+s6] =	stream.strided.scatter [tilespmem:s16], [sflag:$0x10], $0x2000, s15, s6, $0x38;
	[tilespmem:$0x13400] =	vst v63  }
0x13f: {  	_ =	swait.ge [sflag:s14], $0x2000  }
0x140: {  	s9 =	sld [smem:$0x7FB]  }
0x141: {  	[sflag:s14] =	ssyncset.done $0x0  }
0x142: {  	[sflag:s14] =	ssyncadd.s32 $0xFFFFE000  }
0x143: {  	[hbm4b:s9+s6] =	stream.strided.scatter [tilespmem:s7], [sflag:$0x9], $0x2000, s15, s6, $0x38;
	[tilespmem:$0x13400] =	vst v63  }
0x144: {  	_ =	swait.ge [sflag:s17], $0x2000  }
0x145: {  	s10 =	sld [smem:$0x7FC];
	_ =	sdelay $0x2  }
0x146: {  	s0 =	ssub.s32 $0x2, s10  }
0x147: {  	s12 =	sshrl.u32 s0, $0x1  }
0x148: {  	s0 =	ssub.s32 s0, s12  }
0x149: {  	s0 =	smax.u32 s0, $0x1  }
0x14a: {  	p0 =	sne.s32 s0, $0x1  }
.Ltmp0:
0x14b: {  	s11 =	sld [smem:$0x7FD];
	(pc) =	sbr.rel @!p0 .LBB2_2-.Ltmp0, $4  }
0x14c: {  	[sflag:s17] =	ssyncset.done $0x0  }
0x14d: {  	[sflag:s17] =	ssyncadd.s32 $0xFFFFE000  }
0x14e: {  	[hbm4b:s11+s6] =	stream.strided.scatter [tilespmem:s8], [sflag:$0xA], $0x2000, s15, s6, $0x38;
	[tilespmem:$0x13400] =	vst v63  }
0x14f: {  	_ =	swait.ge [sflag:s18], $0x2000;
	s0 =	sadd.s32 $0xFFFFFFFF, s0  }
.LBB2_1:
0x150: {  	[sflag:s18] =	ssyncset.done $0x0  }
0x151: {  	[sflag:s18] =	ssyncadd.s32 $0xFFFFE000  }
0x152: {  	_ =	swait.ge [sflag:s20], $0x2000  }
0x153: {  	[sflag:s20] =	ssyncset.done $0x0  }
0x154: {  	[sflag:s20] =	ssyncadd.s32 $0xFFFFE000  }
0x155: {  	_ =	swait.ge [sflag:s21], $0x2000  }
0x156: {  	[sflag:s21] =	ssyncset.done $0x0  }
0x157: {  	[sflag:s21] =	ssyncadd.s32 $0xFFFFE000  }
0x158: {  	_ =	swait.ge [sflag:s23], $0x2000  }
0x159: {  	[sflag:s23] =	ssyncset.done $0x0  }
0x15a: {  	[sflag:s23] =	ssyncadd.s32 $0xFFFFE000  }
0x15b: {  	_ =	swait.ge [sflag:s25], $0x2000  }
0x15c: {  	[sflag:s25] =	ssyncset.done $0x0  }
0x15d: {  	[sflag:s25] =	ssyncadd.s32 $0xFFFFE000  }
0x15e: {  	_ =	swait.ge [sflag:s28], $0x2000  }
0x15f: {  	[sflag:s28] =	ssyncset.done $0x0  }
0x160: {  	[sflag:s28] =	ssyncadd.s32 $0xFFFFE000  }
0x161: {  	_ =	swait.ge [sflag:s29], $0x2000  }
0x162: {  	[sflag:s29] =	ssyncset.done $0x0  }
0x163: {  	[sflag:s29] =	ssyncadd.s32 $0xFFFFE000  }
0x164: {  	_ =	swait.ge [sflag:s6], $0x2000  }
0x165: {  	s2 =	sld [smem:$0x7CC]  }
0x166: {  	s12 =	simm.s32 $0x0;
	[sflag:s6] =	ssyncset.done $0x0  }
0x167: {  	s3 =	simm.s32 $0x11;
	s1 =	rddreg [dreg:$0x5];
	[sflag:s6] =	ssyncadd.s32 $0xFFFFE000  }
0x168: {  	[tilespmem:s12], [sflag:$0x11] =	stream.strided.gather [hbm4b:s1+s4], $0x3400, s2, s4, $0x38;
	[tilespmem:$0x13400] =	vst v63  }
0x169: {  	_ =	swait.ge [sflag:s3], $0x3400  }
0x16a: {  	s1 =	rddreg [dreg:$0x6]  }
0x16b: {  	s2 =	sld [smem:$0x7CD]  }
0x16c: {  	s5 =	rddreg [dreg:$0x3]  }
0x16d: {  	s9 =	rddreg [dreg:$0x7]  }
0x16e: {  	[sflag:s3] =	ssyncset.done $0x0;
	s10 =	rddreg [dreg:$0x9]  }
0x16f: {  	s11 =	rddreg [dreg:$0x8];
	[sflag:s3] =	ssyncadd.s32 $0xFFFFCC00  }
0x170: {  	[tilespmem:s7], [sflag:$0x1] =	stream.indirect.gather [hbm4b:s5+s4], $0x10, s12, s4, $0xb8;
	[tilespmem:$0x13400] =	vst v63  }
0x171: {  	s3 =	sld [smem:$0x7CE]  }
0x172: {  	[tilespmem:s8], [sflag:$0x2] =	stream.indirect.gather [hbm4b:s1+s4], $0x10, s4, s4, $0xb8;
	[tilespmem:$0x13400] =	vst v63  }
0x173: {  	s5 =	sld [smem:$0x7CF];
	s12 =	simm.s32 $0x7400  }
0x174: {  	[tilespmem:s12], [sflag:$0x3] =	stream.indirect.gather [hbm4b:s9+s4], $0x10, s3, s4, $0xb8;
	[tilespmem:$0x13400] =	vst v63  }
0x175: {  	s1 =	sld [smem:$0x7D0];
	s9 =	simm.s32 $0x9400  }
0x176: {  	[tilespmem:s9], [sflag:$0x4] =	stream.indirect.gather [hbm4b:s11+s4], $0x10, s5, s4, $0xb8;
	[tilespmem:$0x13400] =	vst v63  }
0x177: {  	s3 =	rddreg [dreg:$0xa];
	s11 =	simm.s32 $0xB400  }
0x178: {  	[tilespmem:s11], [sflag:$0x5] =	stream.indirect.gather [hbm4b:s10+s4], $0x10, s1, s4, $0xb8;
	[tilespmem:$0x13400] =	vst v63  }
0x179: {  	s5 =	sld [smem:$0x7D1];
	s10 =	simm.s32 $0xD400  }
0x17a: {  	[tilespmem:s10], [sflag:$0x6] =	stream.indirect.gather [hbm4b:s3+s4], $0x10, s2, s4, $0xb8;
	[tilespmem:$0x13400] =	vst v63  }
0x17b: {  	s1 =	rddreg [dreg:$0xb]  }
0x17c: {  	[tilespmem:s13], [sflag:$0x7] =	stream.indirect.gather [hbm4b:s1+s4], $0x10, s5, s4, $0xb8;
	[tilespmem:$0x13400] =	vst v63  }
0x17d: {  	_ =	swait.ge [sflag:s14], $0x2000  }
0x17e: {  	s5 =	sld [smem:$0x7D3]  }
0x17f: {  	[sflag:s14] =	ssyncset.done $0x0  }
0x180: {  	s1 =	sld [smem:$0x7D2];
	[sflag:s14] =	ssyncadd.s32 $0xFFFFE000  }
0x181: {  	[hbm4b:s5+s6] =	stream.strided.scatter [tilespmem:s7], [sflag:$0x9], $0x2000, s15, s6, $0x38;
	[tilespmem:$0x13400] =	vst v63  }
0x182: {  	s2 =	rddreg [dreg:$0xc]  }
0x183: {  	[tilespmem:s16], [sflag:$0x8] =	stream.indirect.gather [hbm4b:s2+s4], $0x10, s1, s4, $0xb8;
	[tilespmem:$0x13400] =	vst v63  }
0x184: {  	_ =	swait.ge [sflag:s17], $0x2000  }
0x185: {  	[sflag:s17] =	ssyncset.done $0x0  }
0x186: {  	s2 =	rddreg [dreg:$0xd];
	[sflag:s17] =	ssyncadd.s32 $0xFFFFE000  }
0x187: {  	[hbm4b:s2+s6] =	stream.strided.scatter [tilespmem:s8], [sflag:$0xA], $0x2000, s15, s6, $0x38;
	[tilespmem:$0x13400] =	vst v63  }
0x188: {  	_ =	swait.ge [sflag:s18], $0x2000  }
0x189: {  	s5 =	sld [smem:$0x7D4]  }
0x18a: {  	[sflag:s18] =	ssyncset.done $0x0  }
0x18b: {  	s3 =	rddreg [dreg:$0xe];
	[sflag:s18] =	ssyncadd.s32 $0xFFFFE000  }
0x18c: {  	[tilespmem:s7], [sflag:$0x1] =	stream.indirect.gather [hbm4b:s3+s4], $0x10, s5, s4, $0xb8;
	[tilespmem:$0x13400] =	vst v63  }
0x18d: {  	_ =	swait.ge [sflag:s19], $0x2000  }
0x18e: {  	[sflag:s19] =	ssyncset.done $0x0  }
0x18f: {  	s2 =	rddreg [dreg:$0xf];
	[sflag:s19] =	ssyncadd.s32 $0xFFFFE000  }
0x190: {  	[hbm4b:s2+s6] =	stream.strided.scatter [tilespmem:s12], [sflag:$0xB], $0x2000, s15, s6, $0x38;
	[tilespmem:$0x13400] =	vst v63  }
0x191: {  	_ =	swait.ge [sflag:s20], $0x2000  }
0x192: {  	s5 =	sld [smem:$0x7D5]  }
0x193: {  	[sflag:s20] =	ssyncset.done $0x0  }
0x194: {  	s3 =	rddreg [dreg:$0x10];
	[sflag:s20] =	ssyncadd.s32 $0xFFFFE000  }
0x195: {  	[tilespmem:s8], [sflag:$0x2] =	stream.indirect.gather [hbm4b:s3+s4], $0x10, s5, s4, $0xb8;
	[tilespmem:$0x13400] =	vst v63  }
0x196: {  	_ =	swait.ge [sflag:s22], $0x2000  }
0x197: {  	[sflag:s22] =	ssyncset.done $0x0  }
0x198: {  	s2 =	rddreg [dreg:$0x11];
	[sflag:s22] =	ssyncadd.s32 $0xFFFFE000  }
0x199: {  	[hbm4b:s2+s6] =	stream.strided.scatter [tilespmem:s9], [sflag:$0xC], $0x2000, s15, s6, $0x38;
	[tilespmem:$0x13400] =	vst v63  }
0x19a: {  	_ =	swait.ge [sflag:s21], $0x2000  }
0x19b: {  	s5 =	sld [smem:$0x7D6]  }
0x19c: {  	[sflag:s21] =	ssyncset.done $0x0  }
0x19d: {  	s3 =	rddreg [dreg:$0x12];
	[sflag:s21] =	ssyncadd.s32 $0xFFFFE000  }
0x19e: {  	[tilespmem:s12], [sflag:$0x3] =	stream.indirect.gather [hbm4b:s3+s4], $0x10, s5, s4, $0xb8;
	[tilespmem:$0x13400] =	vst v63  }
0x19f: {  	_ =	swait.ge [sflag:s24], $0x2000  }
0x1a0: {  	[sflag:s24] =	ssyncset.done $0x0  }
0x1a1: {  	s2 =	rddreg [dreg:$0x13];
	[sflag:s24] =	ssyncadd.s32 $0xFFFFE000  }
0x1a2: {  	[hbm4b:s2+s6] =	stream.strided.scatter [tilespmem:s11], [sflag:$0xD], $0x2000, s15, s6, $0x38;
	[tilespmem:$0x13400] =	vst v63  }
0x1a3: {  	_ =	swait.ge [sflag:s23], $0x2000  }
0x1a4: {  	s5 =	sld [smem:$0x7D7]  }
0x1a5: {  	[sflag:s23] =	ssyncset.done $0x0  }
0x1a6: {  	s3 =	rddreg [dreg:$0x14];
	[sflag:s23] =	ssyncadd.s32 $0xFFFFE000  }
0x1a7: {  	[tilespmem:s9], [sflag:$0x4] =	stream.indirect.gather [hbm4b:s3+s4], $0x10, s5, s4, $0xb8;
	[tilespmem:$0x13400] =	vst v63  }
0x1a8: {  	_ =	swait.ge [sflag:s26], $0x2000  }
0x1a9: {  	[sflag:s26] =	ssyncset.done $0x0  }
0x1aa: {  	s2 =	rddreg [dreg:$0x15];
	[sflag:s26] =	ssyncadd.s32 $0xFFFFE000  }
0x1ab: {  	[hbm4b:s2+s6] =	stream.strided.scatter [tilespmem:s10], [sflag:$0xE], $0x2000, s15, s6, $0x38;
	[tilespmem:$0x13400] =	vst v63  }
0x1ac: {  	_ =	swait.ge [sflag:s25], $0x2000  }
0x1ad: {  	s5 =	sld [smem:$0x7D8]  }
0x1ae: {  	[sflag:s25] =	ssyncset.done $0x0  }
0x1af: {  	s3 =	rddreg [dreg:$0x16];
	[sflag:s25] =	ssyncadd.s32 $0xFFFFE000  }
0x1b0: {  	[tilespmem:s11], [sflag:$0x5] =	stream.indirect.gather [hbm4b:s3+s4], $0x10, s5, s4, $0xb8;
	[tilespmem:$0x13400] =	vst v63  }
0x1b1: {  	_ =	swait.ge [sflag:s30], $0x2000  }
0x1b2: {  	[sflag:s30] =	ssyncset.done $0x0  }
0x1b3: {  	s2 =	rddreg [dreg:$0x17];
	[sflag:s30] =	ssyncadd.s32 $0xFFFFE000  }
0x1b4: {  	[hbm4b:s2+s6] =	stream.strided.scatter [tilespmem:s13], [sflag:$0xF], $0x2000, s15, s6, $0x38;
	[tilespmem:$0x13400] =	vst v63  }
0x1b5: {  	_ =	swait.ge [sflag:s28], $0x2000  }
0x1b6: {  	s5 =	sld [smem:$0x7D9]  }
0x1b7: {  	[sflag:s28] =	ssyncset.done $0x0  }
0x1b8: {  	s3 =	rddreg [dreg:$0x4];
	[sflag:s28] =	ssyncadd.s32 $0xFFFFE000  }
0x1b9: {  	[tilespmem:s10], [sflag:$0x6] =	stream.indirect.gather [hbm4b:s3+s4], $0x10, s5, s4, $0xb8;
	[tilespmem:$0x13400] =	vst v63  }
0x1ba: {  	_ =	swait.ge [sflag:s31], $0x2000  }
0x1bb: {  	[sflag:s31] =	ssyncset.done $0x0  }
0x1bc: {  	s2 =	rddreg [dreg:$0x18];
	[sflag:s31] =	ssyncadd.s32 $0xFFFFE000  }
0x1bd: {  	[hbm4b:s2+s6] =	stream.strided.scatter [tilespmem:s16], [sflag:$0x10], $0x2000, s15, s6, $0x38;
	[tilespmem:$0x13400] =	vst v63  }
0x1be: {  	_ =	swait.ge [sflag:s29], $0x2000  }
0x1bf: {  	s5 =	sld [smem:$0x7DA]  }
0x1c0: {  	[sflag:s29] =	ssyncset.done $0x0  }
0x1c1: {  	s3 =	rddreg [dreg:$0x19];
	[sflag:s29] =	ssyncadd.s32 $0xFFFFE000  }
0x1c2: {  	[tilespmem:s13], [sflag:$0x7] =	stream.indirect.gather [hbm4b:s3+s4], $0x10, s5, s4, $0xb8;
	[tilespmem:$0x13400] =	vst v63  }
0x1c3: {  	_ =	swait.ge [sflag:s14], $0x2000  }
0x1c4: {  	[sflag:s14] =	ssyncset.done $0x0  }
0x1c5: {  	s2 =	rddreg [dreg:$0x1a];
	[sflag:s14] =	ssyncadd.s32 $0xFFFFE000  }
0x1c6: {  	[hbm4b:s2+s6] =	stream.strided.scatter [tilespmem:s7], [sflag:$0x9], $0x2000, s15, s6, $0x38;
	[tilespmem:$0x13400] =	vst v63  }
0x1c7: {  	_ =	swait.ge [sflag:s6], $0x2000  }
0x1c8: {  	s5 =	sld [smem:$0x7DB]  }
0x1c9: {  	[sflag:s6] =	ssyncset.done $0x0  }
0x1ca: {  	s3 =	rddreg [dreg:$0x1b];
	[sflag:s6] =	ssyncadd.s32 $0xFFFFE000  }
0x1cb: {  	[tilespmem:s16], [sflag:$0x8] =	stream.indirect.gather [hbm4b:s3+s4], $0x10, s5, s4, $0xb8;
	[tilespmem:$0x13400] =	vst v63  }
0x1cc: {  	_ =	swait.ge [sflag:s17], $0x2000  }
0x1cd: {  	[sflag:s17] =	ssyncset.done $0x0  }
0x1ce: {  	s2 =	rddreg [dreg:$0x1c];
	[sflag:s17] =	ssyncadd.s32 $0xFFFFE000  }
0x1cf: {  	[hbm4b:s2+s6] =	stream.strided.scatter [tilespmem:s8], [sflag:$0xA], $0x2000, s15, s6, $0x38;
	[tilespmem:$0x13400] =	vst v63  }
0x1d0: {  	_ =	swait.ge [sflag:s18], $0x2000  }
0x1d1: {  	s5 =	sld [smem:$0x7DC]  }
0x1d2: {  	[sflag:s18] =	ssyncset.done $0x0  }
0x1d3: {  	s3 =	rddreg [dreg:$0x1d];
	[sflag:s18] =	ssyncadd.s32 $0xFFFFE000  }
0x1d4: {  	[tilespmem:s7], [sflag:$0x1] =	stream.indirect.gather [hbm4b:s3+s4], $0x10, s5, s4, $0xb8;
	[tilespmem:$0x13400] =	vst v63  }
0x1d5: {  	_ =	swait.ge [sflag:s19], $0x2000  }
0x1d6: {  	[sflag:s19] =	ssyncset.done $0x0  }
0x1d7: {  	s2 =	rddreg [dreg:$0x1e];
	[sflag:s19] =	ssyncadd.s32 $0xFFFFE000  }
0x1d8: {  	[hbm4b:s2+s6] =	stream.strided.scatter [tilespmem:s12], [sflag:$0xB], $0x2000, s15, s6, $0x38;
	[tilespmem:$0x13400] =	vst v63  }
0x1d9: {  	_ =	swait.ge [sflag:s20], $0x2000  }
0x1da: {  	s5 =	sld [smem:$0x7DD]  }
0x1db: {  	[sflag:s20] =	ssyncset.done $0x0  }
0x1dc: {  	s3 =	rddreg [dreg:$0x1f];
	[sflag:s20] =	ssyncadd.s32 $0xFFFFE000  }
0x1dd: {  	[tilespmem:s8], [sflag:$0x2] =	stream.indirect.gather [hbm4b:s3+s4], $0x10, s5, s4, $0xb8;
	[tilespmem:$0x13400] =	vst v63  }
0x1de: {  	_ =	swait.ge [sflag:s22], $0x2000  }
0x1df: {  	s2 =	sld [smem:$0x7DE]  }
0x1e0: {  	[sflag:s22] =	ssyncset.done $0x0  }
0x1e1: {  	[sflag:s22] =	ssyncadd.s32 $0xFFFFE000  }
0x1e2: {  	[hbm4b:s2+s6] =	stream.strided.scatter [tilespmem:s9], [sflag:$0xC], $0x2000, s15, s6, $0x38;
	[tilespmem:$0x13400] =	vst v63  }
0x1e3: {  	_ =	swait.ge [sflag:s21], $0x2000  }
0x1e4: {  	s3 =	sld [smem:$0x7DF]  }
0x1e5: {  	s5 =	sld [smem:$0x7E0]  }
0x1e6: {  	[sflag:s21] =	ssyncset.done $0x0  }
0x1e7: {  	[sflag:s21] =	ssyncadd.s32 $0xFFFFE000  }
0x1e8: {  	[tilespmem:s12], [sflag:$0x3] =	stream.indirect.gather [hbm4b:s3+s4], $0x10, s5, s4, $0xb8;
	[tilespmem:$0x13400] =	vst v63  }
0x1e9: {  	_ =	swait.ge [sflag:s24], $0x2000  }
0x1ea: {  	s2 =	sld [smem:$0x7E1]  }
0x1eb: {  	[sflag:s24] =	ssyncset.done $0x0  }
0x1ec: {  	[sflag:s24] =	ssyncadd.s32 $0xFFFFE000  }
0x1ed: {  	[hbm4b:s2+s6] =	stream.strided.scatter [tilespmem:s11], [sflag:$0xD], $0x2000, s15, s6, $0x38;
	[tilespmem:$0x13400] =	vst v63  }
0x1ee: {  	_ =	swait.ge [sflag:s23], $0x2000  }
0x1ef: {  	s3 =	sld [smem:$0x7E2]  }
0x1f0: {  	s5 =	sld [smem:$0x7E3]  }
0x1f1: {  	[sflag:s23] =	ssyncset.done $0x0  }
0x1f2: {  	[sflag:s23] =	ssyncadd.s32 $0xFFFFE000  }
0x1f3: {  	[tilespmem:s9], [sflag:$0x4] =	stream.indirect.gather [hbm4b:s3+s4], $0x10, s5, s4, $0xb8;
	[tilespmem:$0x13400] =	vst v63  }
0x1f4: {  	_ =	swait.ge [sflag:s26], $0x2000  }
0x1f5: {  	s2 =	sld [smem:$0x7E4]  }
0x1f6: {  	[sflag:s26] =	ssyncset.done $0x0  }
0x1f7: {  	[sflag:s26] =	ssyncadd.s32 $0xFFFFE000  }
0x1f8: {  	[hbm4b:s2+s6] =	stream.strided.scatter [tilespmem:s10], [sflag:$0xE], $0x2000, s15, s6, $0x38;
	[tilespmem:$0x13400] =	vst v63  }
0x1f9: {  	_ =	swait.ge [sflag:s25], $0x2000  }
0x1fa: {  	s3 =	sld [smem:$0x7E5]  }
0x1fb: {  	s5 =	sld [smem:$0x7E6]  }
0x1fc: {  	[sflag:s25] =	ssyncset.done $0x0  }
0x1fd: {  	[sflag:s25] =	ssyncadd.s32 $0xFFFFE000  }
0x1fe: {  	[tilespmem:s11], [sflag:$0x5] =	stream.indirect.gather [hbm4b:s3+s4], $0x10, s5, s4, $0xb8;
	[tilespmem:$0x13400] =	vst v63  }
0x1ff: {  	_ =	swait.ge [sflag:s30], $0x2000  }
0x200: {  	s2 =	sld [smem:$0x7E7]  }
0x201: {  	[sflag:s30] =	ssyncset.done $0x0  }
0x202: {  	[sflag:s30] =	ssyncadd.s32 $0xFFFFE000  }
0x203: {  	[hbm4b:s2+s6] =	stream.strided.scatter [tilespmem:s13], [sflag:$0xF], $0x2000, s15, s6, $0x38;
	[tilespmem:$0x13400] =	vst v63  }
0x204: {  	_ =	swait.ge [sflag:s28], $0x2000  }
0x205: {  	s3 =	sld [smem:$0x7E8]  }
0x206: {  	s5 =	sld [smem:$0x7E9]  }
0x207: {  	[sflag:s28] =	ssyncset.done $0x0  }
0x208: {  	[sflag:s28] =	ssyncadd.s32 $0xFFFFE000  }
0x209: {  	[tilespmem:s10], [sflag:$0x6] =	stream.indirect.gather [hbm4b:s3+s4], $0x10, s5, s4, $0xb8;
	[tilespmem:$0x13400] =	vst v63  }
0x20a: {  	_ =	swait.ge [sflag:s31], $0x2000  }
0x20b: {  	s2 =	sld [smem:$0x7EA]  }
0x20c: {  	[sflag:s31] =	ssyncset.done $0x0  }
0x20d: {  	[sflag:s31] =	ssyncadd.s32 $0xFFFFE000  }
0x20e: {  	[hbm4b:s2+s6] =	stream.strided.scatter [tilespmem:s16], [sflag:$0x10], $0x2000, s15, s6, $0x38;
	[tilespmem:$0x13400] =	vst v63  }
0x20f: {  	_ =	swait.ge [sflag:s29], $0x2000  }
0x210: {  	s3 =	sld [smem:$0x7EB]  }
0x211: {  	s5 =	sld [smem:$0x7EC]  }
0x212: {  	[sflag:s29] =	ssyncset.done $0x0  }
0x213: {  	[sflag:s29] =	ssyncadd.s32 $0xFFFFE000  }
0x214: {  	[tilespmem:s13], [sflag:$0x7] =	stream.indirect.gather [hbm4b:s3+s4], $0x10, s5, s4, $0xb8;
	[tilespmem:$0x13400] =	vst v63  }
0x215: {  	_ =	swait.ge [sflag:s14], $0x2000  }
0x216: {  	s2 =	sld [smem:$0x7ED]  }
0x217: {  	[sflag:s14] =	ssyncset.done $0x0  }
0x218: {  	[sflag:s14] =	ssyncadd.s32 $0xFFFFE000  }
0x219: {  	[hbm4b:s2+s6] =	stream.strided.scatter [tilespmem:s7], [sflag:$0x9], $0x2000, s15, s6, $0x38;
	[tilespmem:$0x13400] =	vst v63  }
0x21a: {  	_ =	swait.ge [sflag:s6], $0x2000  }
0x21b: {  	s3 =	sld [smem:$0x7EE]  }
0x21c: {  	s5 =	sld [smem:$0x7EF]  }
0x21d: {  	[sflag:s6] =	ssyncset.done $0x0  }
0x21e: {  	[sflag:s6] =	ssyncadd.s32 $0xFFFFE000  }
0x21f: {  	[tilespmem:s16], [sflag:$0x8] =	stream.indirect.gather [hbm4b:s3+s4], $0x10, s5, s4, $0xb8;
	[tilespmem:$0x13400] =	vst v63  }
0x220: {  	_ =	swait.ge [sflag:s17], $0x2000  }
0x221: {  	s2 =	sld [smem:$0x7F0]  }
0x222: {  	[sflag:s17] =	ssyncset.done $0x0  }
0x223: {  	[sflag:s17] =	ssyncadd.s32 $0xFFFFE000  }
0x224: {  	[hbm4b:s2+s6] =	stream.strided.scatter [tilespmem:s8], [sflag:$0xA], $0x2000, s15, s6, $0x38;
	[tilespmem:$0x13400] =	vst v63  }
0x225: {  	_ =	swait.ge [sflag:s18], $0x2000  }
0x226: {  	s3 =	sld [smem:$0x7F1]  }
0x227: {  	s5 =	sld [smem:$0x7F2]  }
0x228: {  	[sflag:s18] =	ssyncset.done $0x0  }
0x229: {  	[sflag:s18] =	ssyncadd.s32 $0xFFFFE000  }
0x22a: {  	[tilespmem:s7], [sflag:$0x1] =	stream.indirect.gather [hbm4b:s3+s4], $0x10, s5, s4, $0xb8;
	[tilespmem:$0x13400] =	vst v63  }
0x22b: {  	_ =	swait.ge [sflag:s19], $0x2000  }
0x22c: {  	s3 =	sld [smem:$0x7F3]  }
0x22d: {  	[sflag:s19] =	ssyncset.done $0x0  }
0x22e: {  	[sflag:s19] =	ssyncadd.s32 $0xFFFFE000  }
0x22f: {  	[hbm4b:s3+s6] =	stream.strided.scatter [tilespmem:s12], [sflag:$0xB], $0x2000, s15, s6, $0x38;
	[tilespmem:$0x13400] =	vst v63  }
0x230: {  	_ =	swait.ge [sflag:s20], $0x2000  }
0x231: {  	s5 =	sld [smem:$0x7F4]  }
0x232: {  	s12 =	sld [smem:$0x7F5]  }
0x233: {  	[sflag:s20] =	ssyncset.done $0x0  }
0x234: {  	[sflag:s20] =	ssyncadd.s32 $0xFFFFE000  }
0x235: {  	[tilespmem:s8], [sflag:$0x2] =	stream.indirect.gather [hbm4b:s5+s4], $0x10, s12, s4, $0xb8;
	[tilespmem:$0x13400] =	vst v63  }
0x236: {  	_ =	swait.ge [sflag:s22], $0x2000  }
0x237: {  	s2 =	sld [smem:$0x7F6]  }
0x238: {  	[sflag:s22] =	ssyncset.done $0x0  }
0x239: {  	[sflag:s22] =	ssyncadd.s32 $0xFFFFE000  }
0x23a: {  	[hbm4b:s2+s6] =	stream.strided.scatter [tilespmem:s9], [sflag:$0xC], $0x2000, s15, s6, $0x38;
	[tilespmem:$0x13400] =	vst v63  }
0x23b: {  	_ =	swait.ge [sflag:s24], $0x2000  }
0x23c: {  	s3 =	sld [smem:$0x7F7]  }
0x23d: {  	[sflag:s24] =	ssyncset.done $0x0  }
0x23e: {  	[sflag:s24] =	ssyncadd.s32 $0xFFFFE000  }
0x23f: {  	[hbm4b:s3+s6] =	stream.strided.scatter [tilespmem:s11], [sflag:$0xD], $0x2000, s15, s6, $0x38;
	[tilespmem:$0x13400] =	vst v63  }
0x240: {  	_ =	swait.ge [sflag:s26], $0x2000  }
0x241: {  	s5 =	sld [smem:$0x7F8]  }
0x242: {  	[sflag:s26] =	ssyncset.done $0x0  }
0x243: {  	[sflag:s26] =	ssyncadd.s32 $0xFFFFE000  }
0x244: {  	[hbm4b:s5+s6] =	stream.strided.scatter [tilespmem:s10], [sflag:$0xE], $0x2000, s15, s6, $0x38;
	[tilespmem:$0x13400] =	vst v63  }
0x245: {  	_ =	swait.ge [sflag:s30], $0x2000  }
0x246: {  	s9 =	sld [smem:$0x7F9]  }
0x247: {  	[sflag:s30] =	ssyncset.done $0x0  }
0x248: {  	[sflag:s30] =	ssyncadd.s32 $0xFFFFE000  }
0x249: {  	[hbm4b:s9+s6] =	stream.strided.scatter [tilespmem:s13], [sflag:$0xF], $0x2000, s15, s6, $0x38;
	[tilespmem:$0x13400] =	vst v63  }
0x24a: {  	_ =	swait.ge [sflag:s31], $0x2000  }
0x24b: {  	s10 =	sld [smem:$0x7FA]  }
0x24c: {  	[sflag:s31] =	ssyncset.done $0x0  }
0x24d: {  	[sflag:s31] =	ssyncadd.s32 $0xFFFFE000  }
0x24e: {  	[hbm4b:s10+s6] =	stream.strided.scatter [tilespmem:s16], [sflag:$0x10], $0x2000, s15, s6, $0x38;
	[tilespmem:$0x13400] =	vst v63  }
0x24f: {  	_ =	swait.ge [sflag:s14], $0x2000  }
0x250: {  	s11 =	sld [smem:$0x7FB]  }
0x251: {  	[sflag:s14] =	ssyncset.done $0x0  }
0x252: {  	[sflag:s14] =	ssyncadd.s32 $0xFFFFE000  }
0x253: {  	[hbm4b:s11+s6] =	stream.strided.scatter [tilespmem:s7], [sflag:$0x9], $0x2000, s15, s6, $0x38;
	[tilespmem:$0x13400] =	vst v63  }
0x254: {  	p0 =	sne.s32 s0, $0x1;
	_ =	swait.ge [sflag:s17], $0x2000  }
.Ltmp1:
0x255: {  	s12 =	sld [smem:$0x7FD];
	(pc) =	sbr.rel @p0 .LBB2_1-.Ltmp1, $4  }
0x256: {  	[sflag:s17] =	ssyncset.done $0x0  }
0x257: {  	[sflag:s17] =	ssyncadd.s32 $0xFFFFE000  }
0x258: {  	[hbm4b:s12+s6] =	stream.strided.scatter [tilespmem:s8], [sflag:$0xA], $0x2000, s15, s6, $0x38;
	[tilespmem:$0x13400] =	vst v63  }
0x259: {  	s0 =	sadd.s32 $0xFFFFFFFF, s0;
	_ =	swait.ge [sflag:s18], $0x2000  }
.LBB2_2:
0x25a: {  	[sflag:s18] =	ssyncset.done $0x0  }
0x25b: {  	[sflag:s18] =	ssyncadd.s32 $0xFFFFE000  }
0x25c: {  	_ =	swait.ge [sflag:s20], $0x2000  }
0x25d: {  	[sflag:s20] =	ssyncset.done $0x0  }
0x25e: {  	[sflag:s20] =	ssyncadd.s32 $0xFFFFE000  }
0x25f: {  	_ =	swait.ge [sflag:s21], $0x2000  }
0x260: {  	[sflag:s21] =	ssyncset.done $0x0  }
0x261: {  	[sflag:s21] =	ssyncadd.s32 $0xFFFFE000  }
0x262: {  	_ =	swait.ge [sflag:s23], $0x2000  }
0x263: {  	[sflag:s23] =	ssyncset.done $0x0  }
0x264: {  	[sflag:s23] =	ssyncadd.s32 $0xFFFFE000  }
0x265: {  	_ =	swait.ge [sflag:s25], $0x2000  }
0x266: {  	[sflag:s25] =	ssyncset.done $0x0  }
0x267: {  	[sflag:s25] =	ssyncadd.s32 $0xFFFFE000  }
0x268: {  	_ =	swait.ge [sflag:s28], $0x2000  }
0x269: {  	[sflag:s28] =	ssyncset.done $0x0  }
0x26a: {  	[sflag:s28] =	ssyncadd.s32 $0xFFFFE000  }
0x26b: {  	_ =	swait.ge [sflag:s29], $0x2000  }
0x26c: {  	[sflag:s29] =	ssyncset.done $0x0  }
0x26d: {  	[sflag:s29] =	ssyncadd.s32 $0xFFFFE000  }
0x26e: {  	_ =	swait.ge [sflag:s6], $0x2000  }
0x26f: {  	[sflag:s6] =	ssyncset.done $0x0  }
0x270: {  	[sflag:s6] =	ssyncadd.s32 $0xFFFFE000  }
0x271: {  	_ =	sfence.sel $0x180000  }
0x272: {  	[bflag:$0x0] =	sbarrier.arrive $0xFFFF  }
0x273: {  	_ =	strace $0x90000047  }
0x274: {  	s0 =	stileid.u32;
	[bflag:$0x2] =	sbarrier.arrive $0xFFFF  }
0x275: {  	p0 =	sne.s32 s0, $0x0;
	s0 =	rddreg [dreg:$0x2]  }
0x276: {  	s0 =	sadd.s32 @!p0 $0x100000, s0  }
0x277: {  	[sflag:s0] =	ssyncadd.tile.s32 @!p0 $0x1;
	_ =	shalt  }
.Lfunc_end2:
_tile_overlayer_lowered:
.L_overlay_start_2:
0x278: {  	(tag) =	ssettag $0x2  }
0x279: {  	s0 =	rddreg [dreg:$0x0];
	s2 =	stileid.u32  }
0x27a: {  	s1 =	rddreg [dreg:$0x1];
	p0 =	sne.s32 s2, $0x0  }
0x27b: {  	s3 =	rddreg [dreg:$0x2];
	[bflag:$0x3] =	sbarrier.arrive $0xFFFF;
	s2 =	simm.s32 @!p0 $0x1C11  }
0x27c: {  	[timem:s3], [sflag:s2] =	dma.local @!p0 [hbm:s0], s1  }
0x27d: {  	s0 =	simm.s32 @!p0 $0x11  }
0x27e: {  	_ =	swait.ge @!p0 [sflag:s0], s1  }
0x27f: {  	s1 =	ssub.s32 @!p0 $0x0, s1;
	[sflag:s0] =	ssyncset.done @!p0 $0x0  }
0x280: {  	[sflag:s0] =	ssyncadd.s32 @!p0 s1  }
0x281: {  	[bflag:$0x3] =	sbarrier.arrive $0xFFFF  }
0x282: {  	_ =	shalt  }

</sc_bundles>
